<compile_context>
chip_gen: v7x
topology: tpu7x:2x2x1
jax: 0.10.2.dev20260603
libtpu: 0.0.44.dev20260713+nightly
codegen_flags: <defaults>
</compile_context>

<pallas_src>
import functools

import jax
import jax.numpy as jnp
from jax import lax
from jax.experimental import pallas as pl
from jax.experimental.pallas import tpu as pltpu
from jax.experimental.pallas import tpu_sc as plsc

N_ENT = 9000
N_TOT = 10000
D = 128
DH = D // 2

NC, NS = 2, 16
CHUNK = 128
EP = 110592
PT = EP // NS
NCHUNK = PT // CHUNK
NJ3 = NCHUNK // 3
NJ2D = NCHUNK // 2
ROWB = 9088
RSLAB = ROWB // NS
TOFF = 10240
COLB = 2 * TOFF
CSLAB = COLB // NS
HSLAB = TOFF // NS

_mesh = plsc.VectorSubcoreMesh(core_axis_name="c", subcore_axis_name="s")


@functools.partial(
    pl.kernel,
    out_type=(
        jax.ShapeDtypeStruct((2 * ROWB,), jnp.float32),
        jax.ShapeDtypeStruct((COLB,), jnp.float32),
    ),
    mesh=_mesh,
    scratch_types=[
        pltpu.VMEM((CHUNK,), jnp.int32),
        pltpu.VMEM((CHUNK,), jnp.int32),
        pltpu.VMEM((CHUNK,), jnp.float32),
        pltpu.VMEM((CSLAB,), jnp.float32),
        pltpu.VMEM_SHARED((ROWB,), jnp.float32),
        pltpu.VMEM_SHARED((COLB,), jnp.float32),
    ],
)
def _deg_kernel(rows_hbm, cols_hbm, degr_hbm, degc_hbm,
                cidx, ridx, ones_v, zbuf, accr, accc):
    c = lax.axis_index("c")
    s = lax.axis_index("s")
    base = c * EP + s * PT

    def zero_row(j, carry):
        zbuf[pl.ds(16 * j, 16)] = jnp.zeros((16,), jnp.float32)
        return carry

    lax.fori_loop(0, CSLAB // 16, zero_row, 0)
    pltpu.sync_copy(zbuf.at[pl.ds(0, RSLAB)], accr.at[pl.ds(s * RSLAB, RSLAB)])
    pltpu.sync_copy(zbuf, accc.at[pl.ds(s * CSLAB, CSLAB)])
    for j in range(CHUNK // 16):
        ones_v[pl.ds(16 * j, 16)] = jnp.ones((16,), jnp.float32)
    plsc.subcore_barrier()

    def body(i, carry):
        off = base + i * CHUNK
        pltpu.sync_copy(cols_hbm.at[pl.ds(off, CHUNK)], cidx)
        pltpu.sync_copy(ones_v, accc.at[cidx], add=True)
        pltpu.sync_copy(rows_hbm.at[pl.ds(off, CHUNK)], ridx)
        pltpu.sync_copy(ones_v, accr.at[ridx], add=True)
        return carry

    lax.fori_loop(0, NCHUNK, body, 0)
    plsc.subcore_barrier()
    pltpu.sync_copy(accr.at[pl.ds(s * RSLAB, RSLAB)], zbuf.at[pl.ds(0, RSLAB)])
    pltpu.sync_copy(zbuf.at[pl.ds(0, RSLAB)],
                    degr_hbm.at[pl.ds(c * ROWB + s * RSLAB, RSLAB)])
    pltpu.sync_copy(accc.at[pl.ds(c * TOFF + s * HSLAB, HSLAB)],
                    zbuf.at[pl.ds(0, HSLAB)])
    pltpu.sync_copy(zbuf.at[pl.ds(0, HSLAB)],
                    degc_hbm.at[pl.ds(c * TOFF + s * HSLAB, HSLAB)])


@functools.partial(
    pl.kernel,
    out_type=jax.ShapeDtypeStruct((2 * ROWB, D), jnp.bfloat16),
    mesh=_mesh,
    compiler_params=pltpu.CompilerParams(use_tc_tiling_on_sc=False),
    scratch_types=[
        pltpu.VMEM((2 * CHUNK,), jnp.int32),
        pltpu.VMEM((2 * CHUNK,), jnp.int32),
        pltpu.VMEM((2 * CHUNK,), jnp.int32),
        pltpu.VMEM((CHUNK, D), jnp.bfloat16),
        pltpu.VMEM((CHUNK, D), jnp.bfloat16),
        pltpu.VMEM((CHUNK, D), jnp.bfloat16),
        pltpu.VMEM((RSLAB, D), jnp.bfloat16),
        pltpu.VMEM_SHARED((ROWB, D), jnp.bfloat16),
        pltpu.SemaphoreType.DMA,
        pltpu.SemaphoreType.DMA,
        pltpu.SemaphoreType.DMA,
        pltpu.SemaphoreType.DMA,
        pltpu.SemaphoreType.DMA,
        pltpu.SemaphoreType.DMA,
    ],
)
def _agg_kernel(hb_hbm, idx_hbm, out_hbm,
                ia, ib, ic, ga, gb, gc, wbuf, acc,
                gsa, gsb, gsc, ssa, ssb, ssc):
    c = lax.axis_index("c")
    s = lax.axis_index("s")
    base2 = (c * EP + s * PT) * 2
    slab = s * RSLAB
    idx2 = (ia, ib, ic)
    gbuf = (ga, gb, gc)
    gsems = (gsa, gsb, gsc)
    ssems = (ssa, ssb, ssc)

    def zero_row(r, carry):
        for j in range(D // 32):
            wbuf[r, pl.ds(32 * j, 32)] = jnp.zeros((32,), jnp.bfloat16)
        return carry

    lax.fori_loop(0, RSLAB, zero_row, 0)

    def fire_gather(off2, b):
        pltpu.sync_copy(idx_hbm.at[pl.ds(off2, 2 * CHUNK)], idx2[b])
        pltpu.async_copy(hb_hbm.at[idx2[b].at[pl.ds(0, CHUNK)]],
                         gbuf[b], gsems[b])

    def wait_gather(b):
        pltpu.make_async_copy(hb_hbm.at[idx2[b].at[pl.ds(0, CHUNK)]],
                              gbuf[b], gsems[b]).wait()

    def fire_scatter(b):
        pltpu.async_copy(gbuf[b], acc.at[idx2[b].at[pl.ds(CHUNK, CHUNK)]],
                         ssems[b], add=True)

    def wait_scatter(b):
        pltpu.make_async_copy(gbuf[b], acc.at[idx2[b].at[pl.ds(CHUNK, CHUNK)]],
                              ssems[b]).wait()

    pltpu.sync_copy(wbuf, acc.at[pl.ds(slab, RSLAB)])
    plsc.subcore_barrier()

    fire_gather(base2, 0)
    fire_gather(base2 + 2 * CHUNK, 1)

    def body(j, carry):
        off2 = base2 + (3 * j) * 2 * CHUNK
        for b in range(3):
            wsl = (b + 2) % 3
            if b == 0:
                @pl.when(j > 0)
                def _():
                    wait_scatter(wsl)
            else:
                wait_scatter(wsl)
            fire_gather(off2 + (b + 2) * 2 * CHUNK, wsl)
            wait_gather(b)
            fire_scatter(b)
        return carry

    lax.fori_loop(0, NJ3, body, 0)
    wait_scatter(2)
    wait_gather(0)
    wait_gather(1)
    plsc.subcore_barrier()
    pltpu.sync_copy(acc.at[pl.ds(slab, RSLAB)], wbuf)
    pltpu.sync_copy(wbuf, out_hbm.at[pl.ds(c * ROWB + slab, RSLAB)])


_TC_PARAMS = pltpu.CompilerParams(vmem_limit_bytes=56 * 1024 * 1024)


def _prep_body(x_ref, degr_ref, degc_ref, ar_ref, bc_ref, hb_ref):
    degr = degr_ref[...]
    ar_ref[...] = jnp.where(degr > 0, lax.rsqrt(degr), 0.0)
    degc = degc_ref[...]
    b = jnp.where(degc > 0, lax.rsqrt(degc), 0.0)
    bc_ref[...] = b
    hp = jnp.concatenate(
        [x_ref[...], jnp.zeros((TOFF - N_TOT, D), jnp.float32)], axis=0)
    hb_ref[...] = jnp.concatenate(
        [hp * b[:TOFF], hp * b[TOFF:]], axis=0).astype(jnp.bfloat16)


_prep_call = pl.pallas_call(
    _prep_body,
    compiler_params=_TC_PARAMS,
    out_shape=(
        jax.ShapeDtypeStruct((2 * ROWB, 1), jnp.float32),
        jax.ShapeDtypeStruct((COLB, 1), jnp.float32),
        jax.ShapeDtypeStruct((COLB, D), jnp.bfloat16),
    ),
)


def _layer_core(h_ref, s_ref, ar_ref, w1_ref, w2_ref, w3_ref, wr_ref,
                entw_ref, relw_ref, entb_ref, relb_ref):
    f32 = jnp.float32
    entw = entw_ref[...]
    a1 = jnp.dot(w1_ref[...], entw[0:D], preferred_element_type=f32)
    a2 = jnp.dot(w2_ref[...], entw[D:2 * D], preferred_element_type=f32)
    a3 = jnp.dot(w3_ref[...], entw[2 * D:3 * D], preferred_element_type=f32)
    r2 = jnp.dot(wr_ref[...], relw_ref[...][D:2 * D], preferred_element_type=f32)
    h = h_ref[...]
    sm = s_ref[...].astype(f32)
    aro = ar_ref[...][0:N_ENT]
    ari = ar_ref[...][ROWB:ROWB + N_ENT]
    ex = (jnp.dot(aro * sm[0:N_ENT], a1, preferred_element_type=f32)
          + jnp.dot(h[0:N_ENT], a2, preferred_element_type=f32)
          + jnp.dot(ari * sm[ROWB:ROWB + N_ENT], a3, preferred_element_type=f32)
          + entb_ref[...])
    rx = jnp.dot(h[N_ENT:N_TOT], r2, preferred_element_type=f32) + relb_ref[...]
    return jnp.tanh(jnp.concatenate([jnp.tanh(ex), jnp.tanh(rx)], axis=0))


def _layerscale_body(h_ref, s_ref, ar_ref, bc_ref,
                     w1_ref, w2_ref, w3_ref, wr_ref,
                     entw_ref, relw_ref, entb_ref, relb_ref,
                     hn_ref, hb_ref):
    hn = _layer_core(h_ref, s_ref, ar_ref, w1_ref, w2_ref, w3_ref, wr_ref,
                     entw_ref, relw_ref, entb_ref, relb_ref)
    hn_ref[...] = hn
    b = bc_ref[...]
    hp = jnp.concatenate([hn, jnp.zeros((TOFF - N_TOT, D), jnp.float32)],
                         axis=0)
    hb_ref[...] = jnp.concatenate(
        [hp * b[:TOFF], hp * b[TOFF:]], axis=0).astype(jnp.bfloat16)


_layerscale_call = pl.pallas_call(
    _layerscale_body,
    compiler_params=_TC_PARAMS,
    out_shape=(
        jax.ShapeDtypeStruct((N_TOT, D), jnp.float32),
        jax.ShapeDtypeStruct((COLB, D), jnp.bfloat16),
    ),
)


def _layerfinal_body(h_ref, s_ref, ar_ref, x_ref,
                     w1_ref, w2_ref, w3_ref, wr_ref,
                     entw_ref, relw_ref, entb_ref, relb_ref,
                     fw_ref, fb_ref, out_ref):
    f32 = jnp.float32
    h2 = _layer_core(h_ref, s_ref, ar_ref, w1_ref, w2_ref, w3_ref, wr_ref,
                     entw_ref, relw_ref, entb_ref, relb_ref)
    w = fw_ref[...]
    out_ref[...] = (jnp.dot(x_ref[...], w[0:D], preferred_element_type=f32)
                    + jnp.dot(h_ref[...], w[D:2 * D], preferred_element_type=f32)
                    + jnp.dot(h2, w[2 * D:3 * D], preferred_element_type=f32)
                    + fb_ref[...])


_layerfinal_call = pl.pallas_call(
    _layerfinal_body,
    compiler_params=_TC_PARAMS,
    out_shape=jax.ShapeDtypeStruct((N_TOT, D), jnp.float32),
)


def kernel(x, num_ent, num_rel, edge_index, params, final_W, final_b):
    etot = edge_index.shape[1]
    oe, ie = etot // 3, (2 * etot) // 3
    ei = edge_index.astype(jnp.int32)

    def pad_set(rows, cols, coff):
        npad = EP - rows.shape[0]
        rows = jnp.concatenate([rows, jnp.full((npad,), N_ENT, jnp.int32)])
        cols = jnp.concatenate([cols + coff,
                                jnp.full((npad,), coff + N_ENT + 1, jnp.int32)])
        return rows, cols

    r0, c0 = pad_set(ei[0, :oe], ei[1, :oe], 0)
    r1, c1 = pad_set(ei[0, oe:ie], ei[1, oe:ie], TOFF)
    rows_all = jnp.concatenate([r0, r1])
    cols_all = jnp.concatenate([c0, c1])
    nch = (2 * EP) // CHUNK
    idx_il = jnp.concatenate([
        jnp.stack([cols_all.reshape(nch, CHUNK),
                   rows_all.reshape(nch, CHUNK)], axis=1).reshape(-1),
        jnp.zeros((4 * CHUNK,), jnp.int32),
    ])

    degr, degc = _deg_kernel(rows_all, cols_all)
    ar, bc, hb = _prep_call(x, degr.reshape(2 * ROWB, 1),
                            degc.reshape(COLB, 1))

    s1 = _agg_kernel(hb, idx_il)
    h1, hb = _layerscale_call(x, s1, ar, bc,
                              params[0]['w_opt_e'], params[0]['w_loop_e'],
                              params[0]['w_ipt_e'], params[0]['w_loop_r'],
                              params[0]['ent_W'], params[0]['rel_W'],
                              params[0]['ent_b'].reshape(1, D),
                              params[0]['rel_b'].reshape(1, D))
    s2 = _agg_kernel(hb, idx_il)
    return _layerfinal_call(h1, s2, ar, x,
                            params[1]['w_opt_e'], params[1]['w_loop_e'],
                            params[1]['w_ipt_e'], params[1]['w_loop_r'],
                            params[1]['ent_W'], params[1]['rel_W'],
                            params[1]['ent_b'].reshape(1, D),
                            params[1]['rel_b'].reshape(1, D),
                            final_W, final_b.reshape(1, D))

# --- scband reference (transcript-rebuilt; emitter-appended) ---
"""Pipeline reference for scband-comp-gnn-45037027066322 (READ-ONLY COPY).

The authoritative reference and input builder live on the scoring server;
editing this copy changes nothing except your own understanding.
"""

import jax, jax.numpy as jnp
import numpy as np

NUM_ENT = 9000
NUM_REL = 1000
E = 320000
D_IN = 128
D_OUT = 128
N_LAYERS = 2


def _glorot(key, shape):
    lim = float(np.sqrt(6.0 / (shape[0] + shape[1])))
    return jax.random.uniform(key, shape, minval=-lim, maxval=lim, dtype=jnp.float32)


def setup_inputs(seed: int = 0):
    key = jax.random.key(seed)
    N = NUM_ENT + NUM_REL
    kx, ke, kp = jax.random.split(key, 3)
    x = jax.random.normal(kx, (N, D_IN), dtype=jnp.float32)
    edge_index = jax.random.randint(ke, (2, E), 0, NUM_ENT)
    params = []
    d_in = D_IN
    for l in range(N_LAYERS):
        keys = jax.random.split(jax.random.fold_in(kp, l), 8)
        p = {
            'w_loop_e': _glorot(keys[0], (d_in, D_OUT)),
            'w_loop_r': _glorot(keys[1], (d_in, D_OUT)),
            'w_ipt_e': _glorot(keys[2], (d_in, D_OUT)),
            'w_ipt_r': _glorot(keys[3], (d_in, D_OUT)),
            'w_opt_e': _glorot(keys[4], (d_in, D_OUT)),
            'w_opt_r': _glorot(keys[5], (d_in, D_OUT)),
            'ent_W': _glorot(keys[6], (3 * d_in, D_OUT)),
            'ent_b': jnp.zeros((D_OUT,), jnp.float32),
            'rel_W': _glorot(keys[7], (3 * d_in, D_OUT)),
            'rel_b': jnp.zeros((D_OUT,), jnp.float32),
        }
        params.append(p)
        d_in = D_OUT
    kf = jax.random.fold_in(kp, 999)
    final_W = _glorot(kf, (D_IN + N_LAYERS * D_OUT, D_OUT))
    final_b = jnp.zeros((D_OUT,), jnp.float32)
    return {'x': x, 'num_ent': NUM_ENT, 'num_rel': NUM_REL, 'edge_index': edge_index,
            'params': params, 'final_W': final_W, 'final_b': final_b}


def _forward(x, params, final_W, final_b, num_ent, num_rel, edge_index):
    N = x.shape[0]
    n_ent = NUM_ENT
    dt = x.dtype

    def inv_sqrt_deg(idx_arr, length):
        deg = jnp.bincount(idx_arr, length=length).astype(dt)
        return jnp.where(deg > 0, 1.0 / jnp.sqrt(deg), 0.0)

    def ent_norm(idx):
        row, col = idx[0], idx[1]
        return inv_sqrt_deg(row, n_ent)[row] * inv_sqrt_deg(col, N)[col]

    def rel_norm(idx):
        row, col = idx[0], idx[1]
        return inv_sqrt_deg(row, N)[row] * inv_sqrt_deg(col, N)[col]

    Etot = edge_index.shape[1]
    oe, ie, orr = int(Etot / 3), int(Etot * 2 / 3), int(Etot * 5 / 6)
    opt_e_idx = edge_index[:, :oe]
    ipt_e_idx = edge_index[:, oe:ie]
    opt_r_idx = edge_index[:, ie:orr]
    ipt_r_idx = edge_index[:, orr:]
    loop_e = jnp.arange(n_ent)
    loop_r = jnp.arange(n_ent, N)

    def conv(h, p):
        def agg(idx, W, norm):
            m = h[idx[1]] @ W
            if norm is not None:
                m = m * norm[:, None]
            return jax.ops.segment_sum(m, idx[0], num_segments=N)
        opt_e_res = agg(opt_e_idx, p['w_opt_e'], ent_norm(opt_e_idx))
        loop_e_res = jax.ops.segment_sum(h[loop_e] @ p['w_loop_e'], loop_e, num_segments=N)
        ipt_e_res = agg(ipt_e_idx, p['w_ipt_e'], ent_norm(ipt_e_idx))
        opt_r_res = agg(opt_r_idx, p['w_opt_r'], rel_norm(opt_r_idx))
        loop_r_res = jax.ops.segment_sum(h[loop_r] @ p['w_loop_r'], loop_r, num_segments=N)
        ipt_r_res = agg(ipt_r_idx, p['w_ipt_r'], rel_norm(ipt_r_idx))
        e_out = jnp.concatenate([opt_e_res, loop_e_res, ipt_e_res], axis=-1) @ p['ent_W'] + p['ent_b']
        r_out = jnp.concatenate([opt_r_res, loop_r_res, ipt_r_res], axis=-1) @ p['rel_W'] + p['rel_b']
        return jnp.tanh(e_out[:n_ent]), jnp.tanh(r_out[n_ent:])

    xs = [x]
    h = x
    for p in params:
        ex, rx = conv(h, p)
        h = jnp.tanh(jnp.concatenate([ex, rx], axis=0))
        xs.append(h)
    out = jnp.concatenate(xs, axis=-1) @ final_W + final_b
    zero = (jnp.asarray(num_ent) + jnp.asarray(num_rel) - N).astype(dt)
    return out + zero


def reference(x, num_ent, num_rel, edge_index, params, final_W, final_b):
    # dropout layers are identity in eval mode; batch_norm=False so BN layers unused
    return _forward(x, params, final_W, final_b, num_ent, num_rel, edge_index)

if __name__ == "__main__":
    import jax
    _d = setup_inputs()
    print(jax.jit(kernel)(*tuple(_d.values())))

</pallas_src>

<mosaic_0001>
#map = affine_map<(d0, d1) -> (0)>
module attributes {stable_mosaic.version = 14 : i64} {
  func.func @_deg_kernel(%arg0: i32, %arg1: i32, %arg2: memref<221184xi32, #tpu.memory_space<hbm>>, %arg3: memref<221184xi32, #tpu.memory_space<hbm>>, %arg4: memref<18176xf32, #tpu.memory_space<hbm>>, %arg5: memref<20480xf32, #tpu.memory_space<hbm>>, %arg6: memref<128xi32, #tpu.memory_space<vmem>>, %arg7: memref<128xi32, #tpu.memory_space<vmem>>, %arg8: memref<128xf32, #tpu.memory_space<vmem>>, %arg9: memref<1280xf32, #tpu.memory_space<vmem>>, %arg10: memref<9088xf32, #tpu.memory_space<vmem_shared>>, %arg11: memref<20480xf32, #tpu.memory_space<vmem_shared>>) attributes {dimension_semantics = [#tpu.dimension_semantics<core_parallel>, #tpu.dimension_semantics<subcore_parallel>], iteration_bounds = array<i64: 2, 16>, scalar_prefetch = 0 : i64, scratch_operands = 6 : i64, tpu.core_type = #tpu.core_type<sc_vector_subcore>, window_params = [{transform_indices = #map}, {transform_indices = #map}, {transform_indices = #map}, {transform_indices = #map}]} {
    %mul3A = arith.constant 110592 : i32
    %mul3A_0 = arith.muli %arg0, %mul3A : i32
    %mul3A_1 = arith.constant 6912 : i32
    %mul3A_2 = arith.muli %arg1, %mul3A_1 : i32
    %add3A = arith.addi %mul3A_0, %mul3A_2 : i32
    %scan3A = arith.constant 0 : i32
    %scan3A_3 = arith.constant 0 : i32
    %scan3A_4 = arith.constant 80 : i32
    %scan3A_5 = arith.addi %scan3A_3, %scan3A_4 : i32
    %scan3A_6 = arith.constant 1 : i32
    scf.for %scan3A_82 = %scan3A_3 to %scan3A_5 step %scan3A_6  : i32 {
      %broadcast_in_dim3A_83 = arith.constant 0.000000e+00 : f32
      %broadcast_in_dim3A_84 = vector.broadcast %broadcast_in_dim3A_83 : f32 to vector<16xf32>
      %mul3A_85 = arith.constant 16 : i32
      %mul3A_86 = arith.muli %mul3A_85, %scan3A_82 : i32
      %swap3A_87 = arith.index_cast %mul3A_86 : i32 to index
      %swap3A_88 = tpu.vector_load %arg9[%swap3A_87] {strides = array<i32>} : memref<1280xf32, #tpu.memory_space<vmem>>, vector<16xf32>,
      %swap3A_89 = vector.shape_cast %swap3A_88 : vector<16xf32> to vector<16xf32>
      %swap3A_90 = vector.shape_cast %broadcast_in_dim3A_84 : vector<16xf32> to vector<16xf32>
      tpu.vector_store %arg9[%swap3A_87], %swap3A_90 {strides = array<i32>} : memref<1280xf32, #tpu.memory_space<vmem>>, vector<16xf32>,
    }
    %scan3A_7 = arith.constant 80 : i32
    %mul3A_8 = arith.constant 568 : i32
    %mul3A_9 = arith.muli %arg1, %mul3A_8 : i32
    "tpu.region"() ({
      %run_scoped3A = tpu.sem_alloc : memref<!tpu.dma_semaphore, #tpu.memory_space<semaphore_mem>>
      %dma_start3A = arith.constant 0 : i32
      %dma_start3A_82 = tpu.memref_slice %arg9[%dma_start3A] : memref<1280xf32, #tpu.memory_space<vmem>> -> memref<568xf32, #tpu.memory_space<vmem>>
      %dma_start3A_83 = tpu.memref_slice %arg10[%mul3A_9] : memref<9088xf32, #tpu.memory_space<vmem_shared>> -> memref<568xf32, #tpu.memory_space<vmem_shared>>
      %dma_start3A_84 = tpu.memref_slice %arg10[%mul3A_9] : memref<9088xf32, #tpu.memory_space<vmem_shared>> -> memref<568xf32, #tpu.memory_space<vmem_shared>>
      %dma_start3A_85 = arith.constant 0 : i32
      %dma_start3A_86 = tpu.memref_slice %arg9[%dma_start3A_85] : memref<1280xf32, #tpu.memory_space<vmem>> -> memref<568xf32, #tpu.memory_space<vmem>>
      tpu.enqueue_dma source(%dma_start3A_86 : memref<568xf32, #tpu.memory_space<vmem>>) target(%dma_start3A_84 : memref<568xf32, #tpu.memory_space<vmem_shared>>) target_semaphore(%run_scoped3A : memref<!tpu.dma_semaphore, #tpu.memory_space<semaphore_mem>>)
      %dma_wait3A = arith.constant 0 : i32
      %dma_wait3A_87 = tpu.memref_slice %arg9[%dma_wait3A] : memref<1280xf32, #tpu.memory_space<vmem>> -> memref<568xf32, #tpu.memory_space<vmem>>
      %dma_wait3A_88 = tpu.memref_slice %arg10[%mul3A_9] : memref<9088xf32, #tpu.memory_space<vmem_shared>> -> memref<568xf32, #tpu.memory_space<vmem_shared>>
      %dma_wait3A_89 = tpu.memref_slice %arg10[%mul3A_9] : memref<9088xf32, #tpu.memory_space<vmem_shared>> -> memref<568xf32, #tpu.memory_space<vmem_shared>>
      %dma_wait3A_90 = arith.constant 0 : i32
      %dma_wait3A_91 = tpu.memref_slice %arg9[%dma_wait3A_90] : memref<1280xf32, #tpu.memory_space<vmem>> -> memref<568xf32, #tpu.memory_space<vmem>>
      tpu.wait_dma2 semaphore(%run_scoped3A : memref<!tpu.dma_semaphore, #tpu.memory_space<semaphore_mem>>) src(%dma_wait3A_91 : memref<568xf32, #tpu.memory_space<vmem>>) dst(%dma_wait3A_89 : memref<568xf32, #tpu.memory_space<vmem_shared>>)
      tpu.yield
    }) : () -> ()
    %mul3A_10 = arith.constant 1280 : i32
    %mul3A_11 = arith.muli %arg1, %mul3A_10 : i32
    "tpu.region"() ({
      %run_scoped3A = tpu.sem_alloc : memref<!tpu.dma_semaphore, #tpu.memory_space<semaphore_mem>>
      %dma_start3A = tpu.memref_slice %arg11[%mul3A_11] : memref<20480xf32, #tpu.memory_space<vmem_shared>> -> memref<1280xf32, #tpu.memory_space<vmem_shared>>
      %dma_start3A_82 = tpu.memref_slice %arg11[%mul3A_11] : memref<20480xf32, #tpu.memory_space<vmem_shared>> -> memref<1280xf32, #tpu.memory_space<vmem_shared>>
      tpu.enqueue_dma source(%arg9 : memref<1280xf32, #tpu.memory_space<vmem>>) target(%dma_start3A_82 : memref<1280xf32, #tpu.memory_space<vmem_shared>>) target_semaphore(%run_scoped3A : memref<!tpu.dma_semaphore, #tpu.memory_space<semaphore_mem>>)
      %dma_wait3A = tpu.memref_slice %arg11[%mul3A_11] : memref<20480xf32, #tpu.memory_space<vmem_shared>> -> memref<1280xf32, #tpu.memory_space<vmem_shared>>
      %dma_wait3A_83 = tpu.memref_slice %arg11[%mul3A_11] : memref<20480xf32, #tpu.memory_space<vmem_shared>> -> memref<1280xf32, #tpu.memory_space<vmem_shared>>
      tpu.wait_dma2 semaphore(%run_scoped3A : memref<!tpu.dma_semaphore, #tpu.memory_space<semaphore_mem>>) src(%arg9 : memref<1280xf32, #tpu.memory_space<vmem>>) dst(%dma_wait3A_83 : memref<1280xf32, #tpu.memory_space<vmem_shared>>)
      tpu.yield
    }) : () -> ()
    %broadcast_in_dim3A = arith.constant 1.000000e+00 : f32
    %broadcast_in_dim3A_12 = vector.broadcast %broadcast_in_dim3A : f32 to vector<16xf32>
    %swap3A = arith.constant 0 : index
    %swap3A_13 = tpu.vector_load %arg8[%swap3A] {strides = array<i32>} : memref<128xf32, #tpu.memory_space<vmem>>, vector<16xf32>,
    %swap3A_14 = vector.shape_cast %swap3A_13 : vector<16xf32> to vector<16xf32>
    %swap3A_15 = vector.shape_cast %broadcast_in_dim3A_12 : vector<16xf32> to vector<16xf32>
    tpu.vector_store %arg8[%swap3A], %swap3A_15 {strides = array<i32>} : memref<128xf32, #tpu.memory_space<vmem>>, vector<16xf32>,
    %broadcast_in_dim3A_16 = arith.constant 1.000000e+00 : f32
    %broadcast_in_dim3A_17 = vector.broadcast %broadcast_in_dim3A_16 : f32 to vector<16xf32>
    %swap3A_18 = arith.constant 16 : index
    %swap3A_19 = tpu.vector_load %arg8[%swap3A_18] {strides = array<i32>} : memref<128xf32, #tpu.memory_space<vmem>>, vector<16xf32>,
    %swap3A_20 = vector.shape_cast %swap3A_19 : vector<16xf32> to vector<16xf32>
    %swap3A_21 = vector.shape_cast %broadcast_in_dim3A_17 : vector<16xf32> to vector<16xf32>
    tpu.vector_store %arg8[%swap3A_18], %swap3A_21 {strides = array<i32>} : memref<128xf32, #tpu.memory_space<vmem>>, vector<16xf32>,
    %broadcast_in_dim3A_22 = arith.constant 1.000000e+00 : f32
    %broadcast_in_dim3A_23 = vector.broadcast %broadcast_in_dim3A_22 : f32 to vector<16xf32>
    %swap3A_24 = arith.constant 32 : index
    %swap3A_25 = tpu.vector_load %arg8[%swap3A_24] {strides = array<i32>} : memref<128xf32, #tpu.memory_space<vmem>>, vector<16xf32>,
    %swap3A_26 = vector.shape_cast %swap3A_25 : vector<16xf32> to vector<16xf32>
    %swap3A_27 = vector.shape_cast %broadcast_in_dim3A_23 : vector<16xf32> to vector<16xf32>
    tpu.vector_store %arg8[%swap3A_24], %swap3A_27 {strides = array<i32>} : memref<128xf32, #tpu.memory_space<vmem>>, vector<16xf32>,
    %broadcast_in_dim3A_28 = arith.constant 1.000000e+00 : f32
    %broadcast_in_dim3A_29 = vector.broadcast %broadcast_in_dim3A_28 : f32 to vector<16xf32>
    %swap3A_30 = arith.constant 48 : index
    %swap3A_31 = tpu.vector_load %arg8[%swap3A_30] {strides = array<i32>} : memref<128xf32, #tpu.memory_space<vmem>>, vector<16xf32>,
    %swap3A_32 = vector.shape_cast %swap3A_31 : vector<16xf32> to vector<16xf32>
    %swap3A_33 = vector.shape_cast %broadcast_in_dim3A_29 : vector<16xf32> to vector<16xf32>
    tpu.vector_store %arg8[%swap3A_30], %swap3A_33 {strides = array<i32>} : memref<128xf32, #tpu.memory_space<vmem>>, vector<16xf32>,
    %broadcast_in_dim3A_34 = arith.constant 1.000000e+00 : f32
    %broadcast_in_dim3A_35 = vector.broadcast %broadcast_in_dim3A_34 : f32 to vector<16xf32>
    %swap3A_36 = arith.constant 64 : index
    %swap3A_37 = tpu.vector_load %arg8[%swap3A_36] {strides = array<i32>} : memref<128xf32, #tpu.memory_space<vmem>>, vector<16xf32>,
    %swap3A_38 = vector.shape_cast %swap3A_37 : vector<16xf32> to vector<16xf32>
    %swap3A_39 = vector.shape_cast %broadcast_in_dim3A_35 : vector<16xf32> to vector<16xf32>
    tpu.vector_store %arg8[%swap3A_36], %swap3A_39 {strides = array<i32>} : memref<128xf32, #tpu.memory_space<vmem>>, vector<16xf32>,
    %broadcast_in_dim3A_40 = arith.constant 1.000000e+00 : f32
    %broadcast_in_dim3A_41 = vector.broadcast %broadcast_in_dim3A_40 : f32 to vector<16xf32>
    %swap3A_42 = arith.constant 80 : index
    %swap3A_43 = tpu.vector_load %arg8[%swap3A_42] {strides = array<i32>} : memref<128xf32, #tpu.memory_space<vmem>>, vector<16xf32>,
    %swap3A_44 = vector.shape_cast %swap3A_43 : vector<16xf32> to vector<16xf32>
    %swap3A_45 = vector.shape_cast %broadcast_in_dim3A_41 : vector<16xf32> to vector<16xf32>
    tpu.vector_store %arg8[%swap3A_42], %swap3A_45 {strides = array<i32>} : memref<128xf32, #tpu.memory_space<vmem>>, vector<16xf32>,
    %broadcast_in_dim3A_46 = arith.constant 1.000000e+00 : f32
    %broadcast_in_dim3A_47 = vector.broadcast %broadcast_in_dim3A_46 : f32 to vector<16xf32>
    %swap3A_48 = arith.constant 96 : index
    %swap3A_49 = tpu.vector_load %arg8[%swap3A_48] {strides = array<i32>} : memref<128xf32, #tpu.memory_space<vmem>>, vector<16xf32>,
    %swap3A_50 = vector.shape_cast %swap3A_49 : vector<16xf32> to vector<16xf32>
    %swap3A_51 = vector.shape_cast %broadcast_in_dim3A_47 : vector<16xf32> to vector<16xf32>
    tpu.vector_store %arg8[%swap3A_48], %swap3A_51 {strides = array<i32>} : memref<128xf32, #tpu.memory_space<vmem>>, vector<16xf32>,
    %broadcast_in_dim3A_52 = arith.constant 1.000000e+00 : f32
    %broadcast_in_dim3A_53 = vector.broadcast %broadcast_in_dim3A_52 : f32 to vector<16xf32>
    %swap3A_54 = arith.constant 112 : index
    %swap3A_55 = tpu.vector_load %arg8[%swap3A_54] {strides = array<i32>} : memref<128xf32, #tpu.memory_space<vmem>>, vector<16xf32>,
    %swap3A_56 = vector.shape_cast %swap3A_55 : vector<16xf32> to vector<16xf32>
    %swap3A_57 = vector.shape_cast %broadcast_in_dim3A_53 : vector<16xf32> to vector<16xf32>
    tpu.vector_store %arg8[%swap3A_54], %swap3A_57 {strides = array<i32>} : memref<128xf32, #tpu.memory_space<vmem>>, vector<16xf32>,
    %barrier3A = arith.constant 0 : index
    tpu.barrier barrier_id(%barrier3A)
    %scan3A_58 = arith.constant 0 : i32
    %scan3A_59 = arith.constant 0 : i32
    %scan3A_60 = arith.constant 54 : i32
    %scan3A_61 = arith.addi %scan3A_59, %scan3A_60 : i32
    %scan3A_62 = arith.constant 1 : i32
    scf.for %scan3A_82 = %scan3A_59 to %scan3A_61 step %scan3A_62  : i32 {
      %mul3A_83 = arith.constant 128 : i32
      %mul3A_84 = arith.muli %scan3A_82, %mul3A_83 : i32
      %add3A_85 = arith.addi %add3A, %mul3A_84 : i32
      "tpu.region"() ({
        %run_scoped3A = tpu.sem_alloc : memref<!tpu.dma_semaphore, #tpu.memory_space<semaphore_mem>>
        %dma_start3A = tpu.memref_slice %arg3[%add3A_85] : memref<221184xi32, #tpu.memory_space<hbm>> -> memref<128xi32, #tpu.memory_space<hbm>>
        %dma_start3A_86 = tpu.memref_slice %arg3[%add3A_85] : memref<221184xi32, #tpu.memory_space<hbm>> -> memref<128xi32, #tpu.memory_space<hbm>>
        tpu.enqueue_dma source(%dma_start3A_86 : memref<128xi32, #tpu.memory_space<hbm>>) target(%arg6 : memref<128xi32, #tpu.memory_space<vmem>>) target_semaphore(%run_scoped3A : memref<!tpu.dma_semaphore, #tpu.memory_space<semaphore_mem>>)
        %dma_wait3A = tpu.memref_slice %arg3[%add3A_85] : memref<221184xi32, #tpu.memory_space<hbm>> -> memref<128xi32, #tpu.memory_space<hbm>>
        %dma_wait3A_87 = tpu.memref_slice %arg3[%add3A_85] : memref<221184xi32, #tpu.memory_space<hbm>> -> memref<128xi32, #tpu.memory_space<hbm>>
        tpu.wait_dma2 semaphore(%run_scoped3A : memref<!tpu.dma_semaphore, #tpu.memory_space<semaphore_mem>>) src(%dma_wait3A_87 : memref<128xi32, #tpu.memory_space<hbm>>) dst(%arg6 : memref<128xi32, #tpu.memory_space<vmem>>)
        tpu.yield
      }) : () -> ()
      "tpu.region"() ({
        %run_scoped3A = tpu.sem_alloc : memref<!tpu.dma_semaphore, #tpu.memory_space<semaphore_mem>>
        %dma_start3A = arith.constant 0 : i32
        %dma_start3A_86 = tpu.memref_slice %arg11[%dma_start3A] : memref<20480xf32, #tpu.memory_space<vmem_shared>> -> memref<20480xf32, #tpu.memory_space<vmem_shared>>
        tpu.enqueue_indirect_dma source(%arg8 : memref<128xf32, #tpu.memory_space<vmem>>) target(%dma_start3A_86 : memref<20480xf32, #tpu.memory_space<vmem_shared>>) offsets(%arg6 : memref<128xi32, #tpu.memory_space<vmem>>) semaphore(%run_scoped3A : memref<!tpu.dma_semaphore, #tpu.memory_space<semaphore_mem>>) {add = true}
        %dma_wait3A = arith.constant 0 : i32
        %dma_wait3A_87 = tpu.memref_slice %arg11[%dma_wait3A] : memref<20480xf32, #tpu.memory_space<vmem_shared>> -> memref<20480xf32, #tpu.memory_space<vmem_shared>>
        tpu.wait_indirect_dma semaphore(%run_scoped3A : memref<!tpu.dma_semaphore, #tpu.memory_space<semaphore_mem>>) src(%arg8 : memref<128xf32, #tpu.memory_space<vmem>>) dst(%dma_wait3A_87 : memref<20480xf32, #tpu.memory_space<vmem_shared>>)
        tpu.yield
      }) : () -> ()
      "tpu.region"() ({
        %run_scoped3A = tpu.sem_alloc : memref<!tpu.dma_semaphore, #tpu.memory_space<semaphore_mem>>
        %dma_start3A = tpu.memref_slice %arg2[%add3A_85] : memref<221184xi32, #tpu.memory_space<hbm>> -> memref<128xi32, #tpu.memory_space<hbm>>
        %dma_start3A_86 = tpu.memref_slice %arg2[%add3A_85] : memref<221184xi32, #tpu.memory_space<hbm>> -> memref<128xi32, #tpu.memory_space<hbm>>
        tpu.enqueue_dma source(%dma_start3A_86 : memref<128xi32, #tpu.memory_space<hbm>>) target(%arg7 : memref<128xi32, #tpu.memory_space<vmem>>) target_semaphore(%run_scoped3A : memref<!tpu.dma_semaphore, #tpu.memory_space<semaphore_mem>>)
        %dma_wait3A = tpu.memref_slice %arg2[%add3A_85] : memref<221184xi32, #tpu.memory_space<hbm>> -> memref<128xi32, #tpu.memory_space<hbm>>
        %dma_wait3A_87 = tpu.memref_slice %arg2[%add3A_85] : memref<221184xi32, #tpu.memory_space<hbm>> -> memref<128xi32, #tpu.memory_space<hbm>>
        tpu.wait_dma2 semaphore(%run_scoped3A : memref<!tpu.dma_semaphore, #tpu.memory_space<semaphore_mem>>) src(%dma_wait3A_87 : memref<128xi32, #tpu.memory_space<hbm>>) dst(%arg7 : memref<128xi32, #tpu.memory_space<vmem>>)
        tpu.yield
      }) : () -> ()
      "tpu.region"() ({
        %run_scoped3A = tpu.sem_alloc : memref<!tpu.dma_semaphore, #tpu.memory_space<semaphore_mem>>
        %dma_start3A = arith.constant 0 : i32
        %dma_start3A_86 = tpu.memref_slice %arg10[%dma_start3A] : memref<9088xf32, #tpu.memory_space<vmem_shared>> -> memref<9088xf32, #tpu.memory_space<vmem_shared>>
        tpu.enqueue_indirect_dma source(%arg8 : memref<128xf32, #tpu.memory_space<vmem>>) target(%dma_start3A_86 : memref<9088xf32, #tpu.memory_space<vmem_shared>>) offsets(%arg7 : memref<128xi32, #tpu.memory_space<vmem>>) semaphore(%run_scoped3A : memref<!tpu.dma_semaphore, #tpu.memory_space<semaphore_mem>>) {add = true}
        %dma_wait3A = arith.constant 0 : i32
        %dma_wait3A_87 = tpu.memref_slice %arg10[%dma_wait3A] : memref<9088xf32, #tpu.memory_space<vmem_shared>> -> memref<9088xf32, #tpu.memory_space<vmem_shared>>
        tpu.wait_indirect_dma semaphore(%run_scoped3A : memref<!tpu.dma_semaphore, #tpu.memory_space<semaphore_mem>>) src(%arg8 : memref<128xf32, #tpu.memory_space<vmem>>) dst(%dma_wait3A_87 : memref<9088xf32, #tpu.memory_space<vmem_shared>>)
        tpu.yield
      }) : () -> ()
    }
    %scan3A_63 = arith.constant 54 : i32
    %barrier3A_64 = arith.constant 0 : index
    tpu.barrier barrier_id(%barrier3A_64)
    %mul3A_65 = arith.constant 568 : i32
    %mul3A_66 = arith.muli %arg1, %mul3A_65 : i32
    "tpu.region"() ({
      %run_scoped3A = tpu.sem_alloc : memref<!tpu.dma_semaphore, #tpu.memory_space<semaphore_mem>>
      %dma_start3A = arith.constant 0 : i32
      %dma_start3A_82 = tpu.memref_slice %arg9[%dma_start3A] : memref<1280xf32, #tpu.memory_space<vmem>> -> memref<568xf32, #tpu.memory_space<vmem>>
      %dma_start3A_83 = tpu.memref_slice %arg10[%mul3A_66] : memref<9088xf32, #tpu.memory_space<vmem_shared>> -> memref<568xf32, #tpu.memory_space<vmem_shared>>
      %dma_start3A_84 = arith.constant 0 : i32
      %dma_start3A_85 = tpu.memref_slice %arg9[%dma_start3A_84] : memref<1280xf32, #tpu.memory_space<vmem>> -> memref<568xf32, #tpu.memory_space<vmem>>
      %dma_start3A_86 = tpu.memref_slice %arg10[%mul3A_66] : memref<9088xf32, #tpu.memory_space<vmem_shared>> -> memref<568xf32, #tpu.memory_space<vmem_shared>>
      tpu.enqueue_dma source(%dma_start3A_86 : memref<568xf32, #tpu.memory_space<vmem_shared>>) target(%dma_start3A_85 : memref<568xf32, #tpu.memory_space<vmem>>) target_semaphore(%run_scoped3A : memref<!tpu.dma_semaphore, #tpu.memory_space<semaphore_mem>>)
      %dma_wait3A = arith.constant 0 : i32
      %dma_wait3A_87 = tpu.memref_slice %arg9[%dma_wait3A] : memref<1280xf32, #tpu.memory_space<vmem>> -> memref<568xf32, #tpu.memory_space<vmem>>
      %dma_wait3A_88 = tpu.memref_slice %arg10[%mul3A_66] : memref<9088xf32, #tpu.memory_space<vmem_shared>> -> memref<568xf32, #tpu.memory_space<vmem_shared>>
      %dma_wait3A_89 = arith.constant 0 : i32
      %dma_wait3A_90 = tpu.memref_slice %arg9[%dma_wait3A_89] : memref<1280xf32, #tpu.memory_space<vmem>> -> memref<568xf32, #tpu.memory_space<vmem>>
      %dma_wait3A_91 = tpu.memref_slice %arg10[%mul3A_66] : memref<9088xf32, #tpu.memory_space<vmem_shared>> -> memref<568xf32, #tpu.memory_space<vmem_shared>>
      tpu.wait_dma2 semaphore(%run_scoped3A : memref<!tpu.dma_semaphore, #tpu.memory_space<semaphore_mem>>) src(%dma_wait3A_91 : memref<568xf32, #tpu.memory_space<vmem_shared>>) dst(%dma_wait3A_90 : memref<568xf32, #tpu.memory_space<vmem>>)
      tpu.yield
    }) : () -> ()
    %mul3A_67 = arith.constant 9088 : i32
    %mul3A_68 = arith.muli %arg0, %mul3A_67 : i32
    %mul3A_69 = arith.constant 568 : i32
    %mul3A_70 = arith.muli %arg1, %mul3A_69 : i32
    %add3A_71 = arith.addi %mul3A_68, %mul3A_70 : i32
    "tpu.region"() ({
      %run_scoped3A = tpu.sem_alloc : memref<!tpu.dma_semaphore, #tpu.memory_space<semaphore_mem>>
      %dma_start3A = arith.constant 0 : i32
      %dma_start3A_82 = tpu.memref_slice %arg9[%dma_start3A] : memref<1280xf32, #tpu.memory_space<vmem>> -> memref<568xf32, #tpu.memory_space<vmem>>
      %dma_start3A_83 = tpu.memref_slice %arg4[%add3A_71] : memref<18176xf32, #tpu.memory_space<hbm>> -> memref<568xf32, #tpu.memory_space<hbm>>
      %dma_start3A_84 = tpu.memref_slice %arg4[%add3A_71] : memref<18176xf32, #tpu.memory_space<hbm>> -> memref<568xf32, #tpu.memory_space<hbm>>
      %dma_start3A_85 = arith.constant 0 : i32
      %dma_start3A_86 = tpu.memref_slice %arg9[%dma_start3A_85] : memref<1280xf32, #tpu.memory_space<vmem>> -> memref<568xf32, #tpu.memory_space<vmem>>
      tpu.enqueue_dma source(%dma_start3A_86 : memref<568xf32, #tpu.memory_space<vmem>>) target(%dma_start3A_84 : memref<568xf32, #tpu.memory_space<hbm>>) target_semaphore(%run_scoped3A : memref<!tpu.dma_semaphore, #tpu.memory_space<semaphore_mem>>)
      %dma_wait3A = arith.constant 0 : i32
      %dma_wait3A_87 = tpu.memref_slice %arg9[%dma_wait3A] : memref<1280xf32, #tpu.memory_space<vmem>> -> memref<568xf32, #tpu.memory_space<vmem>>
      %dma_wait3A_88 = tpu.memref_slice %arg4[%add3A_71] : memref<18176xf32, #tpu.memory_space<hbm>> -> memref<568xf32, #tpu.memory_space<hbm>>
      %dma_wait3A_89 = tpu.memref_slice %arg4[%add3A_71] : memref<18176xf32, #tpu.memory_space<hbm>> -> memref<568xf32, #tpu.memory_space<hbm>>
      %dma_wait3A_90 = arith.constant 0 : i32
      %dma_wait3A_91 = tpu.memref_slice %arg9[%dma_wait3A_90] : memref<1280xf32, #tpu.memory_space<vmem>> -> memref<568xf32, #tpu.memory_space<vmem>>
      tpu.wait_dma2 semaphore(%run_scoped3A : memref<!tpu.dma_semaphore, #tpu.memory_space<semaphore_mem>>) src(%dma_wait3A_91 : memref<568xf32, #tpu.memory_space<vmem>>) dst(%dma_wait3A_89 : memref<568xf32, #tpu.memory_space<hbm>>)
      tpu.yield
    }) : () -> ()
    %mul3A_72 = arith.constant 10240 : i32
    %mul3A_73 = arith.muli %arg0, %mul3A_72 : i32
    %mul3A_74 = arith.constant 640 : i32
    %mul3A_75 = arith.muli %arg1, %mul3A_74 : i32
    %add3A_76 = arith.addi %mul3A_73, %mul3A_75 : i32
    "tpu.region"() ({
      %run_scoped3A = tpu.sem_alloc : memref<!tpu.dma_semaphore, #tpu.memory_space<semaphore_mem>>
      %dma_start3A = arith.constant 0 : i32
      %dma_start3A_82 = tpu.memref_slice %arg9[%dma_start3A] : memref<1280xf32, #tpu.memory_space<vmem>> -> memref<640xf32, #tpu.memory_space<vmem>>
      %dma_start3A_83 = tpu.memref_slice %arg11[%add3A_76] : memref<20480xf32, #tpu.memory_space<vmem_shared>> -> memref<640xf32, #tpu.memory_space<vmem_shared>>
      %dma_start3A_84 = arith.constant 0 : i32
      %dma_start3A_85 = tpu.memref_slice %arg9[%dma_start3A_84] : memref<1280xf32, #tpu.memory_space<vmem>> -> memref<640xf32, #tpu.memory_space<vmem>>
      %dma_start3A_86 = tpu.memref_slice %arg11[%add3A_76] : memref<20480xf32, #tpu.memory_space<vmem_shared>> -> memref<640xf32, #tpu.memory_space<vmem_shared>>
      tpu.enqueue_dma source(%dma_start3A_86 : memref<640xf32, #tpu.memory_space<vmem_shared>>) target(%dma_start3A_85 : memref<640xf32, #tpu.memory_space<vmem>>) target_semaphore(%run_scoped3A : memref<!tpu.dma_semaphore, #tpu.memory_space<semaphore_mem>>)
      %dma_wait3A = arith.constant 0 : i32
      %dma_wait3A_87 = tpu.memref_slice %arg9[%dma_wait3A] : memref<1280xf32, #tpu.memory_space<vmem>> -> memref<640xf32, #tpu.memory_space<vmem>>
      %dma_wait3A_88 = tpu.memref_slice %arg11[%add3A_76] : memref<20480xf32, #tpu.memory_space<vmem_shared>> -> memref<640xf32, #tpu.memory_space<vmem_shared>>
      %dma_wait3A_89 = arith.constant 0 : i32
      %dma_wait3A_90 = tpu.memref_slice %arg9[%dma_wait3A_89] : memref<1280xf32, #tpu.memory_space<vmem>> -> memref<640xf32, #tpu.memory_space<vmem>>
      %dma_wait3A_91 = tpu.memref_slice %arg11[%add3A_76] : memref<20480xf32, #tpu.memory_space<vmem_shared>> -> memref<640xf32, #tpu.memory_space<vmem_shared>>
      tpu.wait_dma2 semaphore(%run_scoped3A : memref<!tpu.dma_semaphore, #tpu.memory_space<semaphore_mem>>) src(%dma_wait3A_91 : memref<640xf32, #tpu.memory_space<vmem_shared>>) dst(%dma_wait3A_90 : memref<640xf32, #tpu.memory_space<vmem>>)
      tpu.yield
    }) : () -> ()
    %mul3A_77 = arith.constant 10240 : i32
    %mul3A_78 = arith.muli %arg0, %mul3A_77 : i32
    %mul3A_79 = arith.constant 640 : i32
    %mul3A_80 = arith.muli %arg1, %mul3A_79 : i32
    %add3A_81 = arith.addi %mul3A_78, %mul3A_80 : i32
    "tpu.region"() ({
      %run_scoped3A = tpu.sem_alloc : memref<!tpu.dma_semaphore, #tpu.memory_space<semaphore_mem>>
      %dma_start3A = arith.constant 0 : i32
      %dma_start3A_82 = tpu.memref_slice %arg9[%dma_start3A] : memref<1280xf32, #tpu.memory_space<vmem>> -> memref<640xf32, #tpu.memory_space<vmem>>
      %dma_start3A_83 = tpu.memref_slice %arg5[%add3A_81] : memref<20480xf32, #tpu.memory_space<hbm>> -> memref<640xf32, #tpu.memory_space<hbm>>
      %dma_start3A_84 = tpu.memref_slice %arg5[%add3A_81] : memref<20480xf32, #tpu.memory_space<hbm>> -> memref<640xf32, #tpu.memory_space<hbm>>
      %dma_start3A_85 = arith.constant 0 : i32
      %dma_start3A_86 = tpu.memref_slice %arg9[%dma_start3A_85] : memref<1280xf32, #tpu.memory_space<vmem>> -> memref<640xf32, #tpu.memory_space<vmem>>
      tpu.enqueue_dma source(%dma_start3A_86 : memref<640xf32, #tpu.memory_space<vmem>>) target(%dma_start3A_84 : memref<640xf32, #tpu.memory_space<hbm>>) target_semaphore(%run_scoped3A : memref<!tpu.dma_semaphore, #tpu.memory_space<semaphore_mem>>)
      %dma_wait3A = arith.constant 0 : i32
      %dma_wait3A_87 = tpu.memref_slice %arg9[%dma_wait3A] : memref<1280xf32, #tpu.memory_space<vmem>> -> memref<640xf32, #tpu.memory_space<vmem>>
      %dma_wait3A_88 = tpu.memref_slice %arg5[%add3A_81] : memref<20480xf32, #tpu.memory_space<hbm>> -> memref<640xf32, #tpu.memory_space<hbm>>
      %dma_wait3A_89 = tpu.memref_slice %arg5[%add3A_81] : memref<20480xf32, #tpu.memory_space<hbm>> -> memref<640xf32, #tpu.memory_space<hbm>>
      %dma_wait3A_90 = arith.constant 0 : i32
      %dma_wait3A_91 = tpu.memref_slice %arg9[%dma_wait3A_90] : memref<1280xf32, #tpu.memory_space<vmem>> -> memref<640xf32, #tpu.memory_space<vmem>>
      tpu.wait_dma2 semaphore(%run_scoped3A : memref<!tpu.dma_semaphore, #tpu.memory_space<semaphore_mem>>) src(%dma_wait3A_91 : memref<640xf32, #tpu.memory_space<vmem>>) dst(%dma_wait3A_89 : memref<640xf32, #tpu.memory_space<hbm>>)
      tpu.yield
    }) : () -> ()
    return
  }
}

#map = affine_map<(d0, d1) -> (0, 0)>
#map1 = affine_map<(d0, d1) -> (0)>
module attributes {stable_mosaic.version = 14 : i64} {
  func.func @_agg_kernel(%arg0: i32, %arg1: i32, %arg2: memref<20480x128xbf16, #tpu.memory_space<hbm>>, %arg3: memref<442880xi32, #tpu.memory_space<hbm>>, %arg4: memref<18176x128xbf16, #tpu.memory_space<hbm>>, %arg5: memref<256xi32, #tpu.memory_space<vmem>>, %arg6: memref<256xi32, #tpu.memory_space<vmem>>, %arg7: memref<256xi32, #tpu.memory_space<vmem>>, %arg8: memref<128x128xbf16, #tpu.memory_space<vmem>>, %arg9: memref<128x128xbf16, #tpu.memory_space<vmem>>, %arg10: memref<128x128xbf16, #tpu.memory_space<vmem>>, %arg11: memref<568x128xbf16, #tpu.memory_space<vmem>>, %arg12: memref<9088x128xbf16, #tpu.memory_space<vmem_shared>>, %arg13: memref<!tpu.dma_semaphore, #tpu.memory_space<semaphore_mem>>, %arg14: memref<!tpu.dma_semaphore, #tpu.memory_space<semaphore_mem>>, %arg15: memref<!tpu.dma_semaphore, #tpu.memory_space<semaphore_mem>>, %arg16: memref<!tpu.dma_semaphore, #tpu.memory_space<semaphore_mem>>, %arg17: memref<!tpu.dma_semaphore, #tpu.memory_space<semaphore_mem>>, %arg18: memref<!tpu.dma_semaphore, #tpu.memory_space<semaphore_mem>>) attributes {dimension_semantics = [#tpu.dimension_semantics<core_parallel>, #tpu.dimension_semantics<subcore_parallel>], iteration_bounds = array<i64: 2, 16>, scalar_prefetch = 0 : i64, scratch_operands = 14 : i64, tpu.core_type = #tpu.core_type<sc_vector_subcore>, window_params = [{transform_indices = #map}, {transform_indices = #map1}, {transform_indices = #map}]} {
    %mul3A = arith.constant 110592 : i32
    %mul3A_0 = arith.muli %arg0, %mul3A : i32
    %mul3A_1 = arith.constant 6912 : i32
    %mul3A_2 = arith.muli %arg1, %mul3A_1 : i32
    %add3A = arith.addi %mul3A_0, %mul3A_2 : i32
    %mul3A_3 = arith.constant 2 : i32
    %mul3A_4 = arith.muli %add3A, %mul3A_3 : i32
    %mul3A_5 = arith.constant 568 : i32
    %mul3A_6 = arith.muli %arg1, %mul3A_5 : i32
    %scan3A = arith.constant 0 : i32
    %scan3A_7 = arith.constant 0 : i32
    %scan3A_8 = arith.constant 568 : i32
    %scan3A_9 = arith.addi %scan3A_7, %scan3A_8 : i32
    %scan3A_10 = arith.constant 1 : i32
    scf.for %scan3A_47 = %scan3A_7 to %scan3A_9 step %scan3A_10  : i32 {
      %broadcast_in_dim3A = arith.constant 0.000000e+00 : bf16
      %broadcast_in_dim3A_48 = vector.broadcast %broadcast_in_dim3A : bf16 to vector<32xbf16>
      %swap3A = arith.index_cast %scan3A_47 : i32 to index
      %swap3A_49 = arith.constant 0 : index
      %swap3A_50 = tpu.vector_load %arg11[%swap3A, %swap3A_49] {strides = array<i32>} : memref<568x128xbf16, #tpu.memory_space<vmem>>, vector<1x32xbf16>,
      %swap3A_51 = vector.shape_cast %swap3A_50 : vector<1x32xbf16> to vector<32xbf16>
      %swap3A_52 = vector.shape_cast %broadcast_in_dim3A_48 : vector<32xbf16> to vector<1x32xbf16>
      tpu.vector_store %arg11[%swap3A, %swap3A_49], %swap3A_52 {strides = array<i32>} : memref<568x128xbf16, #tpu.memory_space<vmem>>, vector<1x32xbf16>,
      %broadcast_in_dim3A_53 = arith.constant 0.000000e+00 : bf16
      %broadcast_in_dim3A_54 = vector.broadcast %broadcast_in_dim3A_53 : bf16 to vector<32xbf16>
      %swap3A_55 = arith.index_cast %scan3A_47 : i32 to index
      %swap3A_56 = arith.constant 32 : index
      %swap3A_57 = tpu.vector_load %arg11[%swap3A_55, %swap3A_56] {strides = array<i32>} : memref<568x128xbf16, #tpu.memory_space<vmem>>, vector<1x32xbf16>,
      %swap3A_58 = vector.shape_cast %swap3A_57 : vector<1x32xbf16> to vector<32xbf16>
      %swap3A_59 = vector.shape_cast %broadcast_in_dim3A_54 : vector<32xbf16> to vector<1x32xbf16>
      tpu.vector_store %arg11[%swap3A_55, %swap3A_56], %swap3A_59 {strides = array<i32>} : memref<568x128xbf16, #tpu.memory_space<vmem>>, vector<1x32xbf16>,
      %broadcast_in_dim3A_60 = arith.constant 0.000000e+00 : bf16
      %broadcast_in_dim3A_61 = vector.broadcast %broadcast_in_dim3A_60 : bf16 to vector<32xbf16>
      %swap3A_62 = arith.index_cast %scan3A_47 : i32 to index
      %swap3A_63 = arith.constant 64 : index
      %swap3A_64 = tpu.vector_load %arg11[%swap3A_62, %swap3A_63] {strides = array<i32>} : memref<568x128xbf16, #tpu.memory_space<vmem>>, vector<1x32xbf16>,
      %swap3A_65 = vector.shape_cast %swap3A_64 : vector<1x32xbf16> to vector<32xbf16>
      %swap3A_66 = vector.shape_cast %broadcast_in_dim3A_61 : vector<32xbf16> to vector<1x32xbf16>
      tpu.vector_store %arg11[%swap3A_62, %swap3A_63], %swap3A_66 {strides = array<i32>} : memref<568x128xbf16, #tpu.memory_space<vmem>>, vector<1x32xbf16>,
      %broadcast_in_dim3A_67 = arith.constant 0.000000e+00 : bf16
      %broadcast_in_dim3A_68 = vector.broadcast %broadcast_in_dim3A_67 : bf16 to vector<32xbf16>
      %swap3A_69 = arith.index_cast %scan3A_47 : i32 to index
      %swap3A_70 = arith.constant 96 : index
      %swap3A_71 = tpu.vector_load %arg11[%swap3A_69, %swap3A_70] {strides = array<i32>} : memref<568x128xbf16, #tpu.memory_space<vmem>>, vector<1x32xbf16>,
      %swap3A_72 = vector.shape_cast %swap3A_71 : vector<1x32xbf16> to vector<32xbf16>
      %swap3A_73 = vector.shape_cast %broadcast_in_dim3A_68 : vector<32xbf16> to vector<1x32xbf16>
      tpu.vector_store %arg11[%swap3A_69, %swap3A_70], %swap3A_73 {strides = array<i32>} : memref<568x128xbf16, #tpu.memory_space<vmem>>, vector<1x32xbf16>,
    }
    %scan3A_11 = arith.constant 568 : i32
    "tpu.region"() ({
      %run_scoped3A = tpu.sem_alloc : memref<!tpu.dma_semaphore, #tpu.memory_space<semaphore_mem>>
      %dma_start3A_47 = arith.constant 0 : i32
      %dma_start3A_48 = tpu.memref_slice %arg12[%mul3A_6, %dma_start3A_47] : memref<9088x128xbf16, #tpu.memory_space<vmem_shared>> -> memref<568x128xbf16, #tpu.memory_space<vmem_shared>>
      %dma_start3A_49 = arith.constant 0 : i32
      %dma_start3A_50 = tpu.memref_slice %arg12[%mul3A_6, %dma_start3A_49] : memref<9088x128xbf16, #tpu.memory_space<vmem_shared>> -> memref<568x128xbf16, #tpu.memory_space<vmem_shared>>
      tpu.enqueue_dma source(%arg11 : memref<568x128xbf16, #tpu.memory_space<vmem>>) target(%dma_start3A_50 : memref<568x128xbf16, #tpu.memory_space<vmem_shared>>) target_semaphore(%run_scoped3A : memref<!tpu.dma_semaphore, #tpu.memory_space<semaphore_mem>>)
      %dma_wait3A_51 = arith.constant 0 : i32
      %dma_wait3A_52 = tpu.memref_slice %arg12[%mul3A_6, %dma_wait3A_51] : memref<9088x128xbf16, #tpu.memory_space<vmem_shared>> -> memref<568x128xbf16, #tpu.memory_space<vmem_shared>>
      %dma_wait3A_53 = arith.constant 0 : i32
      %dma_wait3A_54 = tpu.memref_slice %arg12[%mul3A_6, %dma_wait3A_53] : memref<9088x128xbf16, #tpu.memory_space<vmem_shared>> -> memref<568x128xbf16, #tpu.memory_space<vmem_shared>>
      tpu.wait_dma2 semaphore(%run_scoped3A : memref<!tpu.dma_semaphore, #tpu.memory_space<semaphore_mem>>) src(%arg11 : memref<568x128xbf16, #tpu.memory_space<vmem>>) dst(%dma_wait3A_54 : memref<568x128xbf16, #tpu.memory_space<vmem_shared>>)
      tpu.yield
    }) : () -> ()
    %barrier3A = arith.constant 0 : index
    tpu.barrier barrier_id(%barrier3A)
    "tpu.region"() ({
      %run_scoped3A = tpu.sem_alloc : memref<!tpu.dma_semaphore, #tpu.memory_space<semaphore_mem>>
      %dma_start3A_47 = tpu.memref_slice %arg3[%mul3A_4] : memref<442880xi32, #tpu.memory_space<hbm>> -> memref<256xi32, #tpu.memory_space<hbm>>
      %dma_start3A_48 = tpu.memref_slice %arg3[%mul3A_4] : memref<442880xi32, #tpu.memory_space<hbm>> -> memref<256xi32, #tpu.memory_space<hbm>>
      tpu.enqueue_dma source(%dma_start3A_48 : memref<256xi32, #tpu.memory_space<hbm>>) target(%arg5 : memref<256xi32, #tpu.memory_space<vmem>>) target_semaphore(%run_scoped3A : memref<!tpu.dma_semaphore, #tpu.memory_space<semaphore_mem>>)
      %dma_wait3A_49 = tpu.memref_slice %arg3[%mul3A_4] : memref<442880xi32, #tpu.memory_space<hbm>> -> memref<256xi32, #tpu.memory_space<hbm>>
      %dma_wait3A_50 = tpu.memref_slice %arg3[%mul3A_4] : memref<442880xi32, #tpu.memory_space<hbm>> -> memref<256xi32, #tpu.memory_space<hbm>>
      tpu.wait_dma2 semaphore(%run_scoped3A : memref<!tpu.dma_semaphore, #tpu.memory_space<semaphore_mem>>) src(%dma_wait3A_50 : memref<256xi32, #tpu.memory_space<hbm>>) dst(%arg5 : memref<256xi32, #tpu.memory_space<vmem>>)
      tpu.yield
    }) : () -> ()
    %dma_start3A = arith.constant 0 : i32
    %dma_start3A_12 = tpu.memref_slice %arg5[%dma_start3A] : memref<256xi32, #tpu.memory_space<vmem>> -> memref<128xi32, #tpu.memory_space<vmem>>
    %dma_start3A_13 = arith.constant 0 : i32
    %dma_start3A_14 = arith.constant 0 : i32
    %dma_start3A_15 = tpu.memref_slice %arg2[%dma_start3A_13, %dma_start3A_14] : memref<20480x128xbf16, #tpu.memory_space<hbm>> -> memref<20480x128xbf16, #tpu.memory_space<hbm>>
    tpu.enqueue_indirect_dma source(%dma_start3A_15 : memref<20480x128xbf16, #tpu.memory_space<hbm>>) target(%arg8 : memref<128x128xbf16, #tpu.memory_space<vmem>>) offsets(%dma_start3A_12 : memref<128xi32, #tpu.memory_space<vmem>>) semaphore(%arg13 : memref<!tpu.dma_semaphore, #tpu.memory_space<semaphore_mem>>)
    %add3A_16 = arith.constant 256 : i32
    %add3A_17 = arith.addi %mul3A_4, %add3A_16 : i32
    "tpu.region"() ({
      %run_scoped3A = tpu.sem_alloc : memref<!tpu.dma_semaphore, #tpu.memory_space<semaphore_mem>>
      %dma_start3A_47 = tpu.memref_slice %arg3[%add3A_17] : memref<442880xi32, #tpu.memory_space<hbm>> -> memref<256xi32, #tpu.memory_space<hbm>>
      %dma_start3A_48 = tpu.memref_slice %arg3[%add3A_17] : memref<442880xi32, #tpu.memory_space<hbm>> -> memref<256xi32, #tpu.memory_space<hbm>>
      tpu.enqueue_dma source(%dma_start3A_48 : memref<256xi32, #tpu.memory_space<hbm>>) target(%arg6 : memref<256xi32, #tpu.memory_space<vmem>>) target_semaphore(%run_scoped3A : memref<!tpu.dma_semaphore, #tpu.memory_space<semaphore_mem>>)
      %dma_wait3A_49 = tpu.memref_slice %arg3[%add3A_17] : memref<442880xi32, #tpu.memory_space<hbm>> -> memref<256xi32, #tpu.memory_space<hbm>>
      %dma_wait3A_50 = tpu.memref_slice %arg3[%add3A_17] : memref<442880xi32, #tpu.memory_space<hbm>> -> memref<256xi32, #tpu.memory_space<hbm>>
      tpu.wait_dma2 semaphore(%run_scoped3A : memref<!tpu.dma_semaphore, #tpu.memory_space<semaphore_mem>>) src(%dma_wait3A_50 : memref<256xi32, #tpu.memory_space<hbm>>) dst(%arg6 : memref<256xi32, #tpu.memory_space<vmem>>)
      tpu.yield
    }) : () -> ()
    %dma_start3A_18 = arith.constant 0 : i32
    %dma_start3A_19 = tpu.memref_slice %arg6[%dma_start3A_18] : memref<256xi32, #tpu.memory_space<vmem>> -> memref<128xi32, #tpu.memory_space<vmem>>
    %dma_start3A_20 = arith.constant 0 : i32
    %dma_start3A_21 = arith.constant 0 : i32
    %dma_start3A_22 = tpu.memref_slice %arg2[%dma_start3A_20, %dma_start3A_21] : memref<20480x128xbf16, #tpu.memory_space<hbm>> -> memref<20480x128xbf16, #tpu.memory_space<hbm>>
    tpu.enqueue_indirect_dma source(%dma_start3A_22 : memref<20480x128xbf16, #tpu.memory_space<hbm>>) target(%arg9 : memref<128x128xbf16, #tpu.memory_space<vmem>>) offsets(%dma_start3A_19 : memref<128xi32, #tpu.memory_space<vmem>>) semaphore(%arg14 : memref<!tpu.dma_semaphore, #tpu.memory_space<semaphore_mem>>)
    %scan3A_23 = arith.constant 0 : i32
    %scan3A_24 = arith.constant 0 : i32
    %scan3A_25 = arith.constant 18 : i32
    %scan3A_26 = arith.addi %scan3A_24, %scan3A_25 : i32
    %scan3A_27 = arith.constant 1 : i32
    scf.for %scan3A_47 = %scan3A_24 to %scan3A_26 step %scan3A_27  : i32 {
      %mul3A_48 = arith.constant 3 : i32
      %mul3A_49 = arith.muli %mul3A_48, %scan3A_47 : i32
      %mul3A_50 = arith.constant 2 : i32
      %mul3A_51 = arith.muli %mul3A_49, %mul3A_50 : i32
      %mul3A_52 = arith.constant 128 : i32
      %mul3A_53 = arith.muli %mul3A_51, %mul3A_52 : i32
      %add3A_54 = arith.addi %mul3A_4, %mul3A_53 : i32
      %gt3A = arith.constant 0 : i32
      %gt3A_55 = arith.cmpi sgt, %scan3A_47, %gt3A : i32
      %convert_element_type3A = arith.extui %gt3A_55 : i1 to i32
      %cond3A = arith.constant 0 : i32
      %cond3A_56 = arith.cmpi ne, %convert_element_type3A, %cond3A : i32
      scf.if %cond3A_56 {
        %dma_wait3A_118 = arith.constant 128 : i32
        %dma_wait3A_119 = tpu.memref_slice %arg7[%dma_wait3A_118] : memref<256xi32, #tpu.memory_space<vmem>> -> memref<128xi32, #tpu.memory_space<vmem>>
        %dma_wait3A_120 = arith.constant 0 : i32
        %dma_wait3A_121 = arith.constant 0 : i32
        %dma_wait3A_122 = tpu.memref_slice %arg12[%dma_wait3A_120, %dma_wait3A_121] : memref<9088x128xbf16, #tpu.memory_space<vmem_shared>> -> memref<9088x128xbf16, #tpu.memory_space<vmem_shared>>
        tpu.wait_indirect_dma semaphore(%arg18 : memref<!tpu.dma_semaphore, #tpu.memory_space<semaphore_mem>>) src(%arg10 : memref<128x128xbf16, #tpu.memory_space<vmem>>) dst(%dma_wait3A_122 : memref<9088x128xbf16, #tpu.memory_space<vmem_shared>>)
      } else {
      }
      %add3A_57 = arith.constant 512 : i32
      %add3A_58 = arith.addi %add3A_54, %add3A_57 : i32
      "tpu.region"() ({
        %run_scoped3A = tpu.sem_alloc : memref<!tpu.dma_semaphore, #tpu.memory_space<semaphore_mem>>
        %dma_start3A_118 = tpu.memref_slice %arg3[%add3A_58] : memref<442880xi32, #tpu.memory_space<hbm>> -> memref<256xi32, #tpu.memory_space<hbm>>
        %dma_start3A_119 = tpu.memref_slice %arg3[%add3A_58] : memref<442880xi32, #tpu.memory_space<hbm>> -> memref<256xi32, #tpu.memory_space<hbm>>
        tpu.enqueue_dma source(%dma_start3A_119 : memref<256xi32, #tpu.memory_space<hbm>>) target(%arg7 : memref<256xi32, #tpu.memory_space<vmem>>) target_semaphore(%run_scoped3A : memref<!tpu.dma_semaphore, #tpu.memory_space<semaphore_mem>>)
        %dma_wait3A_120 = tpu.memref_slice %arg3[%add3A_58] : memref<442880xi32, #tpu.memory_space<hbm>> -> memref<256xi32, #tpu.memory_space<hbm>>
        %dma_wait3A_121 = tpu.memref_slice %arg3[%add3A_58] : memref<442880xi32, #tpu.memory_space<hbm>> -> memref<256xi32, #tpu.memory_space<hbm>>
        tpu.wait_dma2 semaphore(%run_scoped3A : memref<!tpu.dma_semaphore, #tpu.memory_space<semaphore_mem>>) src(%dma_wait3A_121 : memref<256xi32, #tpu.memory_space<hbm>>) dst(%arg7 : memref<256xi32, #tpu.memory_space<vmem>>)
        tpu.yield
      }) : () -> ()
      %dma_start3A_59 = arith.constant 0 : i32
      %dma_start3A_60 = tpu.memref_slice %arg7[%dma_start3A_59] : memref<256xi32, #tpu.memory_space<vmem>> -> memref<128xi32, #tpu.memory_space<vmem>>
      %dma_start3A_61 = arith.constant 0 : i32
      %dma_start3A_62 = arith.constant 0 : i32
      %dma_start3A_63 = tpu.memref_slice %arg2[%dma_start3A_61, %dma_start3A_62] : memref<20480x128xbf16, #tpu.memory_space<hbm>> -> memref<20480x128xbf16, #tpu.memory_space<hbm>>
      tpu.enqueue_indirect_dma source(%dma_start3A_63 : memref<20480x128xbf16, #tpu.memory_space<hbm>>) target(%arg10 : memref<128x128xbf16, #tpu.memory_space<vmem>>) offsets(%dma_start3A_60 : memref<128xi32, #tpu.memory_space<vmem>>) semaphore(%arg15 : memref<!tpu.dma_semaphore, #tpu.memory_space<semaphore_mem>>)
      %dma_wait3A_64 = arith.constant 0 : i32
      %dma_wait3A_65 = tpu.memref_slice %arg5[%dma_wait3A_64] : memref<256xi32, #tpu.memory_space<vmem>> -> memref<128xi32, #tpu.memory_space<vmem>>
      %dma_wait3A_66 = arith.constant 0 : i32
      %dma_wait3A_67 = arith.constant 0 : i32
      %dma_wait3A_68 = tpu.memref_slice %arg2[%dma_wait3A_66, %dma_wait3A_67] : memref<20480x128xbf16, #tpu.memory_space<hbm>> -> memref<20480x128xbf16, #tpu.memory_space<hbm>>
      tpu.wait_indirect_dma semaphore(%arg13 : memref<!tpu.dma_semaphore, #tpu.memory_space<semaphore_mem>>) src(%dma_wait3A_68 : memref<20480x128xbf16, #tpu.memory_space<hbm>>) dst(%arg8 : memref<128x128xbf16, #tpu.memory_space<vmem>>)
      %dma_start3A_69 = arith.constant 128 : i32
      %dma_start3A_70 = tpu.memref_slice %arg5[%dma_start3A_69] : memref<256xi32, #tpu.memory_space<vmem>> -> memref<128xi32, #tpu.memory_space<vmem>>
      %dma_start3A_71 = arith.constant 0 : i32
      %dma_start3A_72 = arith.constant 0 : i32
      %dma_start3A_73 = tpu.memref_slice %arg12[%dma_start3A_71, %dma_start3A_72] : memref<9088x128xbf16, #tpu.memory_space<vmem_shared>> -> memref<9088x128xbf16, #tpu.memory_space<vmem_shared>>
      tpu.enqueue_indirect_dma source(%arg8 : memref<128x128xbf16, #tpu.memory_space<vmem>>) target(%dma_start3A_73 : memref<9088x128xbf16, #tpu.memory_space<vmem_shared>>) offsets(%dma_start3A_70 : memref<128xi32, #tpu.memory_space<vmem>>) semaphore(%arg16 : memref<!tpu.dma_semaphore, #tpu.memory_space<semaphore_mem>>) {add = true}
      %dma_wait3A_74 = arith.constant 128 : i32
      %dma_wait3A_75 = tpu.memref_slice %arg5[%dma_wait3A_74] : memref<256xi32, #tpu.memory_space<vmem>> -> memref<128xi32, #tpu.memory_space<vmem>>
      %dma_wait3A_76 = arith.constant 0 : i32
      %dma_wait3A_77 = arith.constant 0 : i32
      %dma_wait3A_78 = tpu.memref_slice %arg12[%dma_wait3A_76, %dma_wait3A_77] : memref<9088x128xbf16, #tpu.memory_space<vmem_shared>> -> memref<9088x128xbf16, #tpu.memory_space<vmem_shared>>
      tpu.wait_indirect_dma semaphore(%arg16 : memref<!tpu.dma_semaphore, #tpu.memory_space<semaphore_mem>>) src(%arg8 : memref<128x128xbf16, #tpu.memory_space<vmem>>) dst(%dma_wait3A_78 : memref<9088x128xbf16, #tpu.memory_space<vmem_shared>>)
      %add3A_79 = arith.constant 768 : i32
      %add3A_80 = arith.addi %add3A_54, %add3A_79 : i32
      "tpu.region"() ({
        %run_scoped3A = tpu.sem_alloc : memref<!tpu.dma_semaphore, #tpu.memory_space<semaphore_mem>>
        %dma_start3A_118 = tpu.memref_slice %arg3[%add3A_80] : memref<442880xi32, #tpu.memory_space<hbm>> -> memref<256xi32, #tpu.memory_space<hbm>>
        %dma_start3A_119 = tpu.memref_slice %arg3[%add3A_80] : memref<442880xi32, #tpu.memory_space<hbm>> -> memref<256xi32, #tpu.memory_space<hbm>>
        tpu.enqueue_dma source(%dma_start3A_119 : memref<256xi32, #tpu.memory_space<hbm>>) target(%arg5 : memref<256xi32, #tpu.memory_space<vmem>>) target_semaphore(%run_scoped3A : memref<!tpu.dma_semaphore, #tpu.memory_space<semaphore_mem>>)
        %dma_wait3A_120 = tpu.memref_slice %arg3[%add3A_80] : memref<442880xi32, #tpu.memory_space<hbm>> -> memref<256xi32, #tpu.memory_space<hbm>>
        %dma_wait3A_121 = tpu.memref_slice %arg3[%add3A_80] : memref<442880xi32, #tpu.memory_space<hbm>> -> memref<256xi32, #tpu.memory_space<hbm>>
        tpu.wait_dma2 semaphore(%run_scoped3A : memref<!tpu.dma_semaphore, #tpu.memory_space<semaphore_mem>>) src(%dma_wait3A_121 : memref<256xi32, #tpu.memory_space<hbm>>) dst(%arg5 : memref<256xi32, #tpu.memory_space<vmem>>)
        tpu.yield
      }) : () -> ()
      %dma_start3A_81 = arith.constant 0 : i32
      %dma_start3A_82 = tpu.memref_slice %arg5[%dma_start3A_81] : memref<256xi32, #tpu.memory_space<vmem>> -> memref<128xi32, #tpu.memory_space<vmem>>
      %dma_start3A_83 = arith.constant 0 : i32
      %dma_start3A_84 = arith.constant 0 : i32
      %dma_start3A_85 = tpu.memref_slice %arg2[%dma_start3A_83, %dma_start3A_84] : memref<20480x128xbf16, #tpu.memory_space<hbm>> -> memref<20480x128xbf16, #tpu.memory_space<hbm>>
      tpu.enqueue_indirect_dma source(%dma_start3A_85 : memref<20480x128xbf16, #tpu.memory_space<hbm>>) target(%arg8 : memref<128x128xbf16, #tpu.memory_space<vmem>>) offsets(%dma_start3A_82 : memref<128xi32, #tpu.memory_space<vmem>>) semaphore(%arg13 : memref<!tpu.dma_semaphore, #tpu.memory_space<semaphore_mem>>)
      %dma_wait3A_86 = arith.constant 0 : i32
      %dma_wait3A_87 = tpu.memref_slice %arg6[%dma_wait3A_86] : memref<256xi32, #tpu.memory_space<vmem>> -> memref<128xi32, #tpu.memory_space<vmem>>
      %dma_wait3A_88 = arith.constant 0 : i32
      %dma_wait3A_89 = arith.constant 0 : i32
      %dma_wait3A_90 = tpu.memref_slice %arg2[%dma_wait3A_88, %dma_wait3A_89] : memref<20480x128xbf16, #tpu.memory_space<hbm>> -> memref<20480x128xbf16, #tpu.memory_space<hbm>>
      tpu.wait_indirect_dma semaphore(%arg14 : memref<!tpu.dma_semaphore, #tpu.memory_space<semaphore_mem>>) src(%dma_wait3A_90 : memref<20480x128xbf16, #tpu.memory_space<hbm>>) dst(%arg9 : memref<128x128xbf16, #tpu.memory_space<vmem>>)
      %dma_start3A_91 = arith.constant 128 : i32
      %dma_start3A_92 = tpu.memref_slice %arg6[%dma_start3A_91] : memref<256xi32, #tpu.memory_space<vmem>> -> memref<128xi32, #tpu.memory_space<vmem>>
      %dma_start3A_93 = arith.constant 0 : i32
      %dma_start3A_94 = arith.constant 0 : i32
      %dma_start3A_95 = tpu.memref_slice %arg12[%dma_start3A_93, %dma_start3A_94] : memref<9088x128xbf16, #tpu.memory_space<vmem_shared>> -> memref<9088x128xbf16, #tpu.memory_space<vmem_shared>>
      tpu.enqueue_indirect_dma source(%arg9 : memref<128x128xbf16, #tpu.memory_space<vmem>>) target(%dma_start3A_95 : memref<9088x128xbf16, #tpu.memory_space<vmem_shared>>) offsets(%dma_start3A_92 : memref<128xi32, #tpu.memory_space<vmem>>) semaphore(%arg17 : memref<!tpu.dma_semaphore, #tpu.memory_space<semaphore_mem>>) {add = true}
      %dma_wait3A_96 = arith.constant 128 : i32
      %dma_wait3A_97 = tpu.memref_slice %arg6[%dma_wait3A_96] : memref<256xi32, #tpu.memory_space<vmem>> -> memref<128xi32, #tpu.memory_space<vmem>>
      %dma_wait3A_98 = arith.constant 0 : i32
      %dma_wait3A_99 = arith.constant 0 : i32
      %dma_wait3A_100 = tpu.memref_slice %arg12[%dma_wait3A_98, %dma_wait3A_99] : memref<9088x128xbf16, #tpu.memory_space<vmem_shared>> -> memref<9088x128xbf16, #tpu.memory_space<vmem_shared>>
      tpu.wait_indirect_dma semaphore(%arg17 : memref<!tpu.dma_semaphore, #tpu.memory_space<semaphore_mem>>) src(%arg9 : memref<128x128xbf16, #tpu.memory_space<vmem>>) dst(%dma_wait3A_100 : memref<9088x128xbf16, #tpu.memory_space<vmem_shared>>)
      %add3A_101 = arith.constant 1024 : i32
      %add3A_102 = arith.addi %add3A_54, %add3A_101 : i32
      "tpu.region"() ({
        %run_scoped3A = tpu.sem_alloc : memref<!tpu.dma_semaphore, #tpu.memory_space<semaphore_mem>>
        %dma_start3A_118 = tpu.memref_slice %arg3[%add3A_102] : memref<442880xi32, #tpu.memory_space<hbm>> -> memref<256xi32, #tpu.memory_space<hbm>>
        %dma_start3A_119 = tpu.memref_slice %arg3[%add3A_102] : memref<442880xi32, #tpu.memory_space<hbm>> -> memref<256xi32, #tpu.memory_space<hbm>>
        tpu.enqueue_dma source(%dma_start3A_119 : memref<256xi32, #tpu.memory_space<hbm>>) target(%arg6 : memref<256xi32, #tpu.memory_space<vmem>>) target_semaphore(%run_scoped3A : memref<!tpu.dma_semaphore, #tpu.memory_space<semaphore_mem>>)
        %dma_wait3A_120 = tpu.memref_slice %arg3[%add3A_102] : memref<442880xi32, #tpu.memory_space<hbm>> -> memref<256xi32, #tpu.memory_space<hbm>>
        %dma_wait3A_121 = tpu.memref_slice %arg3[%add3A_102] : memref<442880xi32, #tpu.memory_space<hbm>> -> memref<256xi32, #tpu.memory_space<hbm>>
        tpu.wait_dma2 semaphore(%run_scoped3A : memref<!tpu.dma_semaphore, #tpu.memory_space<semaphore_mem>>) src(%dma_wait3A_121 : memref<256xi32, #tpu.memory_space<hbm>>) dst(%arg6 : memref<256xi32, #tpu.memory_space<vmem>>)
        tpu.yield
      }) : () -> ()
      %dma_start3A_103 = arith.constant 0 : i32
      %dma_start3A_104 = tpu.memref_slice %arg6[%dma_start3A_103] : memref<256xi32, #tpu.memory_space<vmem>> -> memref<128xi32, #tpu.memory_space<vmem>>
      %dma_start3A_105 = arith.constant 0 : i32
      %dma_start3A_106 = arith.constant 0 : i32
      %dma_start3A_107 = tpu.memref_slice %arg2[%dma_start3A_105, %dma_start3A_106] : memref<20480x128xbf16, #tpu.memory_space<hbm>> -> memref<20480x128xbf16, #tpu.memory_space<hbm>>
      tpu.enqueue_indirect_dma source(%dma_start3A_107 : memref<20480x128xbf16, #tpu.memory_space<hbm>>) target(%arg9 : memref<128x128xbf16, #tpu.memory_space<vmem>>) offsets(%dma_start3A_104 : memref<128xi32, #tpu.memory_space<vmem>>) semaphore(%arg14 : memref<!tpu.dma_semaphore, #tpu.memory_space<semaphore_mem>>)
      %dma_wait3A_108 = arith.constant 0 : i32
      %dma_wait3A_109 = tpu.memref_slice %arg7[%dma_wait3A_108] : memref<256xi32, #tpu.memory_space<vmem>> -> memref<128xi32, #tpu.memory_space<vmem>>
      %dma_wait3A_110 = arith.constant 0 : i32
      %dma_wait3A_111 = arith.constant 0 : i32
      %dma_wait3A_112 = tpu.memref_slice %arg2[%dma_wait3A_110, %dma_wait3A_111] : memref<20480x128xbf16, #tpu.memory_space<hbm>> -> memref<20480x128xbf16, #tpu.memory_space<hbm>>
      tpu.wait_indirect_dma semaphore(%arg15 : memref<!tpu.dma_semaphore, #tpu.memory_space<semaphore_mem>>) src(%dma_wait3A_112 : memref<20480x128xbf16, #tpu.memory_space<hbm>>) dst(%arg10 : memref<128x128xbf16, #tpu.memory_space<vmem>>)
      %dma_start3A_113 = arith.constant 128 : i32
      %dma_start3A_114 = tpu.memref_slice %arg7[%dma_start3A_113] : memref<256xi32, #tpu.memory_space<vmem>> -> memref<128xi32, #tpu.memory_space<vmem>>
      %dma_start3A_115 = arith.constant 0 : i32
      %dma_start3A_116 = arith.constant 0 : i32
      %dma_start3A_117 = tpu.memref_slice %arg12[%dma_start3A_115, %dma_start3A_116] : memref<9088x128xbf16, #tpu.memory_space<vmem_shared>> -> memref<9088x128xbf16, #tpu.memory_space<vmem_shared>>
      tpu.enqueue_indirect_dma source(%arg10 : memref<128x128xbf16, #tpu.memory_space<vmem>>) target(%dma_start3A_117 : memref<9088x128xbf16, #tpu.memory_space<vmem_shared>>) offsets(%dma_start3A_114 : memref<128xi32, #tpu.memory_space<vmem>>) semaphore(%arg18 : memref<!tpu.dma_semaphore, #tpu.memory_space<semaphore_mem>>) {add = true}
    }
    %scan3A_28 = arith.constant 18 : i32
    %dma_wait3A = arith.constant 128 : i32
    %dma_wait3A_29 = tpu.memref_slice %arg7[%dma_wait3A] : memref<256xi32, #tpu.memory_space<vmem>> -> memref<128xi32, #tpu.memory_space<vmem>>
    %dma_wait3A_30 = arith.constant 0 : i32
    %dma_wait3A_31 = arith.constant 0 : i32
    %dma_wait3A_32 = tpu.memref_slice %arg12[%dma_wait3A_30, %dma_wait3A_31] : memref<9088x128xbf16, #tpu.memory_space<vmem_shared>> -> memref<9088x128xbf16, #tpu.memory_space<vmem_shared>>
    tpu.wait_indirect_dma semaphore(%arg18 : memref<!tpu.dma_semaphore, #tpu.memory_space<semaphore_mem>>) src(%arg10 : memref<128x128xbf16, #tpu.memory_space<vmem>>) dst(%dma_wait3A_32 : memref<9088x128xbf16, #tpu.memory_space<vmem_shared>>)
    %dma_wait3A_33 = arith.constant 0 : i32
    %dma_wait3A_34 = tpu.memref_slice %arg5[%dma_wait3A_33] : memref<256xi32, #tpu.memory_space<vmem>> -> memref<128xi32, #tpu.memory_space<vmem>>
    %dma_wait3A_35 = arith.constant 0 : i32
    %dma_wait3A_36 = arith.constant 0 : i32
    %dma_wait3A_37 = tpu.memref_slice %arg2[%dma_wait3A_35, %dma_wait3A_36] : memref<20480x128xbf16, #tpu.memory_space<hbm>> -> memref<20480x128xbf16, #tpu.memory_space<hbm>>
    tpu.wait_indirect_dma semaphore(%arg13 : memref<!tpu.dma_semaphore, #tpu.memory_space<semaphore_mem>>) src(%dma_wait3A_37 : memref<20480x128xbf16, #tpu.memory_space<hbm>>) dst(%arg8 : memref<128x128xbf16, #tpu.memory_space<vmem>>)
    %dma_wait3A_38 = arith.constant 0 : i32
    %dma_wait3A_39 = tpu.memref_slice %arg6[%dma_wait3A_38] : memref<256xi32, #tpu.memory_space<vmem>> -> memref<128xi32, #tpu.memory_space<vmem>>
    %dma_wait3A_40 = arith.constant 0 : i32
    %dma_wait3A_41 = arith.constant 0 : i32
    %dma_wait3A_42 = tpu.memref_slice %arg2[%dma_wait3A_40, %dma_wait3A_41] : memref<20480x128xbf16, #tpu.memory_space<hbm>> -> memref<20480x128xbf16, #tpu.memory_space<hbm>>
    tpu.wait_indirect_dma semaphore(%arg14 : memref<!tpu.dma_semaphore, #tpu.memory_space<semaphore_mem>>) src(%dma_wait3A_42 : memref<20480x128xbf16, #tpu.memory_space<hbm>>) dst(%arg9 : memref<128x128xbf16, #tpu.memory_space<vmem>>)
    %barrier3A_43 = arith.constant 0 : index
    tpu.barrier barrier_id(%barrier3A_43)
    "tpu.region"() ({
      %run_scoped3A = tpu.sem_alloc : memref<!tpu.dma_semaphore, #tpu.memory_space<semaphore_mem>>
      %dma_start3A_47 = arith.constant 0 : i32
      %dma_start3A_48 = tpu.memref_slice %arg12[%mul3A_6, %dma_start3A_47] : memref<9088x128xbf16, #tpu.memory_space<vmem_shared>> -> memref<568x128xbf16, #tpu.memory_space<vmem_shared>>
      %dma_start3A_49 = arith.constant 0 : i32
      %dma_start3A_50 = tpu.memref_slice %arg12[%mul3A_6, %dma_start3A_49] : memref<9088x128xbf16, #tpu.memory_space<vmem_shared>> -> memref<568x128xbf16, #tpu.memory_space<vmem_shared>>
      tpu.enqueue_dma source(%dma_start3A_50 : memref<568x128xbf16, #tpu.memory_space<vmem_shared>>) target(%arg11 : memref<568x128xbf16, #tpu.memory_space<vmem>>) target_semaphore(%run_scoped3A : memref<!tpu.dma_semaphore, #tpu.memory_space<semaphore_mem>>)
      %dma_wait3A_51 = arith.constant 0 : i32
      %dma_wait3A_52 = tpu.memref_slice %arg12[%mul3A_6, %dma_wait3A_51] : memref<9088x128xbf16, #tpu.memory_space<vmem_shared>> -> memref<568x128xbf16, #tpu.memory_space<vmem_shared>>
      %dma_wait3A_53 = arith.constant 0 : i32
      %dma_wait3A_54 = tpu.memref_slice %arg12[%mul3A_6, %dma_wait3A_53] : memref<9088x128xbf16, #tpu.memory_space<vmem_shared>> -> memref<568x128xbf16, #tpu.memory_space<vmem_shared>>
      tpu.wait_dma2 semaphore(%run_scoped3A : memref<!tpu.dma_semaphore, #tpu.memory_space<semaphore_mem>>) src(%dma_wait3A_54 : memref<568x128xbf16, #tpu.memory_space<vmem_shared>>) dst(%arg11 : memref<568x128xbf16, #tpu.memory_space<vmem>>)
      tpu.yield
    }) : () -> ()
    %mul3A_44 = arith.constant 9088 : i32
    %mul3A_45 = arith.muli %arg0, %mul3A_44 : i32
    %add3A_46 = arith.addi %mul3A_45, %mul3A_6 : i32
    "tpu.region"() ({
      %run_scoped3A = tpu.sem_alloc : memref<!tpu.dma_semaphore, #tpu.memory_space<semaphore_mem>>
      %dma_start3A_47 = arith.constant 0 : i32
      %dma_start3A_48 = tpu.memref_slice %arg4[%add3A_46, %dma_start3A_47] : memref<18176x128xbf16, #tpu.memory_space<hbm>> -> memref<568x128xbf16, #tpu.memory_space<hbm>>
      %dma_start3A_49 = arith.constant 0 : i32
      %dma_start3A_50 = tpu.memref_slice %arg4[%add3A_46, %dma_start3A_49] : memref<18176x128xbf16, #tpu.memory_space<hbm>> -> memref<568x128xbf16, #tpu.memory_space<hbm>>
      tpu.enqueue_dma source(%arg11 : memref<568x128xbf16, #tpu.memory_space<vmem>>) target(%dma_start3A_50 : memref<568x128xbf16, #tpu.memory_space<hbm>>) target_semaphore(%run_scoped3A : memref<!tpu.dma_semaphore, #tpu.memory_space<semaphore_mem>>)
      %dma_wait3A_51 = arith.constant 0 : i32
      %dma_wait3A_52 = tpu.memref_slice %arg4[%add3A_46, %dma_wait3A_51] : memref<18176x128xbf16, #tpu.memory_space<hbm>> -> memref<568x128xbf16, #tpu.memory_space<hbm>>
      %dma_wait3A_53 = arith.constant 0 : i32
      %dma_wait3A_54 = tpu.memref_slice %arg4[%add3A_46, %dma_wait3A_53] : memref<18176x128xbf16, #tpu.memory_space<hbm>> -> memref<568x128xbf16, #tpu.memory_space<hbm>>
      tpu.wait_dma2 semaphore(%run_scoped3A : memref<!tpu.dma_semaphore, #tpu.memory_space<semaphore_mem>>) src(%arg11 : memref<568x128xbf16, #tpu.memory_space<vmem>>) dst(%dma_wait3A_54 : memref<568x128xbf16, #tpu.memory_space<hbm>>)
      tpu.yield
    }) : () -> ()
    return
  }
}

#map = affine_map<(d0, d1) -> (0, 0)>
#map1 = affine_map<(d0, d1) -> (0)>
module attributes {stable_mosaic.version = 14 : i64} {
  func.func @_agg_kernel(%arg0: i32, %arg1: i32, %arg2: memref<20480x128xbf16, #tpu.memory_space<hbm>>, %arg3: memref<442880xi32, #tpu.memory_space<hbm>>, %arg4: memref<18176x128xbf16, #tpu.memory_space<hbm>>, %arg5: memref<256xi32, #tpu.memory_space<vmem>>, %arg6: memref<256xi32, #tpu.memory_space<vmem>>, %arg7: memref<256xi32, #tpu.memory_space<vmem>>, %arg8: memref<128x128xbf16, #tpu.memory_space<vmem>>, %arg9: memref<128x128xbf16, #tpu.memory_space<vmem>>, %arg10: memref<128x128xbf16, #tpu.memory_space<vmem>>, %arg11: memref<568x128xbf16, #tpu.memory_space<vmem>>, %arg12: memref<9088x128xbf16, #tpu.memory_space<vmem_shared>>, %arg13: memref<!tpu.dma_semaphore, #tpu.memory_space<semaphore_mem>>, %arg14: memref<!tpu.dma_semaphore, #tpu.memory_space<semaphore_mem>>, %arg15: memref<!tpu.dma_semaphore, #tpu.memory_space<semaphore_mem>>, %arg16: memref<!tpu.dma_semaphore, #tpu.memory_space<semaphore_mem>>, %arg17: memref<!tpu.dma_semaphore, #tpu.memory_space<semaphore_mem>>, %arg18: memref<!tpu.dma_semaphore, #tpu.memory_space<semaphore_mem>>) attributes {dimension_semantics = [#tpu.dimension_semantics<core_parallel>, #tpu.dimension_semantics<subcore_parallel>], iteration_bounds = array<i64: 2, 16>, scalar_prefetch = 0 : i64, scratch_operands = 14 : i64, tpu.core_type = #tpu.core_type<sc_vector_subcore>, window_params = [{transform_indices = #map}, {transform_indices = #map1}, {transform_indices = #map}]} {
    %mul3A = arith.constant 110592 : i32
    %mul3A_0 = arith.muli %arg0, %mul3A : i32
    %mul3A_1 = arith.constant 6912 : i32
    %mul3A_2 = arith.muli %arg1, %mul3A_1 : i32
    %add3A = arith.addi %mul3A_0, %mul3A_2 : i32
    %mul3A_3 = arith.constant 2 : i32
    %mul3A_4 = arith.muli %add3A, %mul3A_3 : i32
    %mul3A_5 = arith.constant 568 : i32
    %mul3A_6 = arith.muli %arg1, %mul3A_5 : i32
    %scan3A = arith.constant 0 : i32
    %scan3A_7 = arith.constant 0 : i32
    %scan3A_8 = arith.constant 568 : i32
    %scan3A_9 = arith.addi %scan3A_7, %scan3A_8 : i32
    %scan3A_10 = arith.constant 1 : i32
    scf.for %scan3A_47 = %scan3A_7 to %scan3A_9 step %scan3A_10  : i32 {
      %broadcast_in_dim3A = arith.constant 0.000000e+00 : bf16
      %broadcast_in_dim3A_48 = vector.broadcast %broadcast_in_dim3A : bf16 to vector<32xbf16>
      %swap3A = arith.index_cast %scan3A_47 : i32 to index
      %swap3A_49 = arith.constant 0 : index
      %swap3A_50 = tpu.vector_load %arg11[%swap3A, %swap3A_49] {strides = array<i32>} : memref<568x128xbf16, #tpu.memory_space<vmem>>, vector<1x32xbf16>,
      %swap3A_51 = vector.shape_cast %swap3A_50 : vector<1x32xbf16> to vector<32xbf16>
      %swap3A_52 = vector.shape_cast %broadcast_in_dim3A_48 : vector<32xbf16> to vector<1x32xbf16>
      tpu.vector_store %arg11[%swap3A, %swap3A_49], %swap3A_52 {strides = array<i32>} : memref<568x128xbf16, #tpu.memory_space<vmem>>, vector<1x32xbf16>,
      %broadcast_in_dim3A_53 = arith.constant 0.000000e+00 : bf16
      %broadcast_in_dim3A_54 = vector.broadcast %broadcast_in_dim3A_53 : bf16 to vector<32xbf16>
      %swap3A_55 = arith.index_cast %scan3A_47 : i32 to index
      %swap3A_56 = arith.constant 32 : index
      %swap3A_57 = tpu.vector_load %arg11[%swap3A_55, %swap3A_56] {strides = array<i32>} : memref<568x128xbf16, #tpu.memory_space<vmem>>, vector<1x32xbf16>,
      %swap3A_58 = vector.shape_cast %swap3A_57 : vector<1x32xbf16> to vector<32xbf16>
      %swap3A_59 = vector.shape_cast %broadcast_in_dim3A_54 : vector<32xbf16> to vector<1x32xbf16>
      tpu.vector_store %arg11[%swap3A_55, %swap3A_56], %swap3A_59 {strides = array<i32>} : memref<568x128xbf16, #tpu.memory_space<vmem>>, vector<1x32xbf16>,
      %broadcast_in_dim3A_60 = arith.constant 0.000000e+00 : bf16
      %broadcast_in_dim3A_61 = vector.broadcast %broadcast_in_dim3A_60 : bf16 to vector<32xbf16>
      %swap3A_62 = arith.index_cast %scan3A_47 : i32 to index
      %swap3A_63 = arith.constant 64 : index
      %swap3A_64 = tpu.vector_load %arg11[%swap3A_62, %swap3A_63] {strides = array<i32>} : memref<568x128xbf16, #tpu.memory_space<vmem>>, vector<1x32xbf16>,
      %swap3A_65 = vector.shape_cast %swap3A_64 : vector<1x32xbf16> to vector<32xbf16>
      %swap3A_66 = vector.shape_cast %broadcast_in_dim3A_61 : vector<32xbf16> to vector<1x32xbf16>
      tpu.vector_store %arg11[%swap3A_62, %swap3A_63], %swap3A_66 {strides = array<i32>} : memref<568x128xbf16, #tpu.memory_space<vmem>>, vector<1x32xbf16>,
      %broadcast_in_dim3A_67 = arith.constant 0.000000e+00 : bf16
      %broadcast_in_dim3A_68 = vector.broadcast %broadcast_in_dim3A_67 : bf16 to vector<32xbf16>
      %swap3A_69 = arith.index_cast %scan3A_47 : i32 to index
      %swap3A_70 = arith.constant 96 : index
      %swap3A_71 = tpu.vector_load %arg11[%swap3A_69, %swap3A_70] {strides = array<i32>} : memref<568x128xbf16, #tpu.memory_space<vmem>>, vector<1x32xbf16>,
      %swap3A_72 = vector.shape_cast %swap3A_71 : vector<1x32xbf16> to vector<32xbf16>
      %swap3A_73 = vector.shape_cast %broadcast_in_dim3A_68 : vector<32xbf16> to vector<1x32xbf16>
      tpu.vector_store %arg11[%swap3A_69, %swap3A_70], %swap3A_73 {strides = array<i32>} : memref<568x128xbf16, #tpu.memory_space<vmem>>, vector<1x32xbf16>,
    }
    %scan3A_11 = arith.constant 568 : i32
    "tpu.region"() ({
      %run_scoped3A = tpu.sem_alloc : memref<!tpu.dma_semaphore, #tpu.memory_space<semaphore_mem>>
      %dma_start3A_47 = arith.constant 0 : i32
      %dma_start3A_48 = tpu.memref_slice %arg12[%mul3A_6, %dma_start3A_47] : memref<9088x128xbf16, #tpu.memory_space<vmem_shared>> -> memref<568x128xbf16, #tpu.memory_space<vmem_shared>>
      %dma_start3A_49 = arith.constant 0 : i32
      %dma_start3A_50 = tpu.memref_slice %arg12[%mul3A_6, %dma_start3A_49] : memref<9088x128xbf16, #tpu.memory_space<vmem_shared>> -> memref<568x128xbf16, #tpu.memory_space<vmem_shared>>
      tpu.enqueue_dma source(%arg11 : memref<568x128xbf16, #tpu.memory_space<vmem>>) target(%dma_start3A_50 : memref<568x128xbf16, #tpu.memory_space<vmem_shared>>) target_semaphore(%run_scoped3A : memref<!tpu.dma_semaphore, #tpu.memory_space<semaphore_mem>>)
      %dma_wait3A_51 = arith.constant 0 : i32
      %dma_wait3A_52 = tpu.memref_slice %arg12[%mul3A_6, %dma_wait3A_51] : memref<9088x128xbf16, #tpu.memory_space<vmem_shared>> -> memref<568x128xbf16, #tpu.memory_space<vmem_shared>>
      %dma_wait3A_53 = arith.constant 0 : i32
      %dma_wait3A_54 = tpu.memref_slice %arg12[%mul3A_6, %dma_wait3A_53] : memref<9088x128xbf16, #tpu.memory_space<vmem_shared>> -> memref<568x128xbf16, #tpu.memory_space<vmem_shared>>
      tpu.wait_dma2 semaphore(%run_scoped3A : memref<!tpu.dma_semaphore, #tpu.memory_space<semaphore_mem>>) src(%arg11 : memref<568x128xbf16, #tpu.memory_space<vmem>>) dst(%dma_wait3A_54 : memref<568x128xbf16, #tpu.memory_space<vmem_shared>>)
      tpu.yield
    }) : () -> ()
    %barrier3A = arith.constant 0 : index
    tpu.barrier barrier_id(%barrier3A)
    "tpu.region"() ({
      %run_scoped3A = tpu.sem_alloc : memref<!tpu.dma_semaphore, #tpu.memory_space<semaphore_mem>>
      %dma_start3A_47 = tpu.memref_slice %arg3[%mul3A_4] : memref<442880xi32, #tpu.memory_space<hbm>> -> memref<256xi32, #tpu.memory_space<hbm>>
      %dma_start3A_48 = tpu.memref_slice %arg3[%mul3A_4] : memref<442880xi32, #tpu.memory_space<hbm>> -> memref<256xi32, #tpu.memory_space<hbm>>
      tpu.enqueue_dma source(%dma_start3A_48 : memref<256xi32, #tpu.memory_space<hbm>>) target(%arg5 : memref<256xi32, #tpu.memory_space<vmem>>) target_semaphore(%run_scoped3A : memref<!tpu.dma_semaphore, #tpu.memory_space<semaphore_mem>>)
      %dma_wait3A_49 = tpu.memref_slice %arg3[%mul3A_4] : memref<442880xi32, #tpu.memory_space<hbm>> -> memref<256xi32, #tpu.memory_space<hbm>>
      %dma_wait3A_50 = tpu.memref_slice %arg3[%mul3A_4] : memref<442880xi32, #tpu.memory_space<hbm>> -> memref<256xi32, #tpu.memory_space<hbm>>
      tpu.wait_dma2 semaphore(%run_scoped3A : memref<!tpu.dma_semaphore, #tpu.memory_space<semaphore_mem>>) src(%dma_wait3A_50 : memref<256xi32, #tpu.memory_space<hbm>>) dst(%arg5 : memref<256xi32, #tpu.memory_space<vmem>>)
      tpu.yield
    }) : () -> ()
    %dma_start3A = arith.constant 0 : i32
    %dma_start3A_12 = tpu.memref_slice %arg5[%dma_start3A] : memref<256xi32, #tpu.memory_space<vmem>> -> memref<128xi32, #tpu.memory_space<vmem>>
    %dma_start3A_13 = arith.constant 0 : i32
    %dma_start3A_14 = arith.constant 0 : i32
    %dma_start3A_15 = tpu.memref_slice %arg2[%dma_start3A_13, %dma_start3A_14] : memref<20480x128xbf16, #tpu.memory_space<hbm>> -> memref<20480x128xbf16, #tpu.memory_space<hbm>>
    tpu.enqueue_indirect_dma source(%dma_start3A_15 : memref<20480x128xbf16, #tpu.memory_space<hbm>>) target(%arg8 : memref<128x128xbf16, #tpu.memory_space<vmem>>) offsets(%dma_start3A_12 : memref<128xi32, #tpu.memory_space<vmem>>) semaphore(%arg13 : memref<!tpu.dma_semaphore, #tpu.memory_space<semaphore_mem>>)
    %add3A_16 = arith.constant 256 : i32
    %add3A_17 = arith.addi %mul3A_4, %add3A_16 : i32
    "tpu.region"() ({
      %run_scoped3A = tpu.sem_alloc : memref<!tpu.dma_semaphore, #tpu.memory_space<semaphore_mem>>
      %dma_start3A_47 = tpu.memref_slice %arg3[%add3A_17] : memref<442880xi32, #tpu.memory_space<hbm>> -> memref<256xi32, #tpu.memory_space<hbm>>
      %dma_start3A_48 = tpu.memref_slice %arg3[%add3A_17] : memref<442880xi32, #tpu.memory_space<hbm>> -> memref<256xi32, #tpu.memory_space<hbm>>
      tpu.enqueue_dma source(%dma_start3A_48 : memref<256xi32, #tpu.memory_space<hbm>>) target(%arg6 : memref<256xi32, #tpu.memory_space<vmem>>) target_semaphore(%run_scoped3A : memref<!tpu.dma_semaphore, #tpu.memory_space<semaphore_mem>>)
      %dma_wait3A_49 = tpu.memref_slice %arg3[%add3A_17] : memref<442880xi32, #tpu.memory_space<hbm>> -> memref<256xi32, #tpu.memory_space<hbm>>
      %dma_wait3A_50 = tpu.memref_slice %arg3[%add3A_17] : memref<442880xi32, #tpu.memory_space<hbm>> -> memref<256xi32, #tpu.memory_space<hbm>>
      tpu.wait_dma2 semaphore(%run_scoped3A : memref<!tpu.dma_semaphore, #tpu.memory_space<semaphore_mem>>) src(%dma_wait3A_50 : memref<256xi32, #tpu.memory_space<hbm>>) dst(%arg6 : memref<256xi32, #tpu.memory_space<vmem>>)
      tpu.yield
    }) : () -> ()
    %dma_start3A_18 = arith.constant 0 : i32
    %dma_start3A_19 = tpu.memref_slice %arg6[%dma_start3A_18] : memref<256xi32, #tpu.memory_space<vmem>> -> memref<128xi32, #tpu.memory_space<vmem>>
    %dma_start3A_20 = arith.constant 0 : i32
    %dma_start3A_21 = arith.constant 0 : i32
    %dma_start3A_22 = tpu.memref_slice %arg2[%dma_start3A_20, %dma_start3A_21] : memref<20480x128xbf16, #tpu.memory_space<hbm>> -> memref<20480x128xbf16, #tpu.memory_space<hbm>>
    tpu.enqueue_indirect_dma source(%dma_start3A_22 : memref<20480x128xbf16, #tpu.memory_space<hbm>>) target(%arg9 : memref<128x128xbf16, #tpu.memory_space<vmem>>) offsets(%dma_start3A_19 : memref<128xi32, #tpu.memory_space<vmem>>) semaphore(%arg14 : memref<!tpu.dma_semaphore, #tpu.memory_space<semaphore_mem>>)
    %scan3A_23 = arith.constant 0 : i32
    %scan3A_24 = arith.constant 0 : i32
    %scan3A_25 = arith.constant 18 : i32
    %scan3A_26 = arith.addi %scan3A_24, %scan3A_25 : i32
    %scan3A_27 = arith.constant 1 : i32
    scf.for %scan3A_47 = %scan3A_24 to %scan3A_26 step %scan3A_27  : i32 {
      %mul3A_48 = arith.constant 3 : i32
      %mul3A_49 = arith.muli %mul3A_48, %scan3A_47 : i32
      %mul3A_50 = arith.constant 2 : i32
      %mul3A_51 = arith.muli %mul3A_49, %mul3A_50 : i32
      %mul3A_52 = arith.constant 128 : i32
      %mul3A_53 = arith.muli %mul3A_51, %mul3A_52 : i32
      %add3A_54 = arith.addi %mul3A_4, %mul3A_53 : i32
      %gt3A = arith.constant 0 : i32
      %gt3A_55 = arith.cmpi sgt, %scan3A_47, %gt3A : i32
      %convert_element_type3A = arith.extui %gt3A_55 : i1 to i32
      %cond3A = arith.constant 0 : i32
      %cond3A_56 = arith.cmpi ne, %convert_element_type3A, %cond3A : i32
      scf.if %cond3A_56 {
        %dma_wait3A_118 = arith.constant 128 : i32
        %dma_wait3A_119 = tpu.memref_slice %arg7[%dma_wait3A_118] : memref<256xi32, #tpu.memory_space<vmem>> -> memref<128xi32, #tpu.memory_space<vmem>>
        %dma_wait3A_120 = arith.constant 0 : i32
        %dma_wait3A_121 = arith.constant 0 : i32
        %dma_wait3A_122 = tpu.memref_slice %arg12[%dma_wait3A_120, %dma_wait3A_121] : memref<9088x128xbf16, #tpu.memory_space<vmem_shared>> -> memref<9088x128xbf16, #tpu.memory_space<vmem_shared>>
        tpu.wait_indirect_dma semaphore(%arg18 : memref<!tpu.dma_semaphore, #tpu.memory_space<semaphore_mem>>) src(%arg10 : memref<128x128xbf16, #tpu.memory_space<vmem>>) dst(%dma_wait3A_122 : memref<9088x128xbf16, #tpu.memory_space<vmem_shared>>)
      } else {
      }
      %add3A_57 = arith.constant 512 : i32
      %add3A_58 = arith.addi %add3A_54, %add3A_57 : i32
      "tpu.region"() ({
        %run_scoped3A = tpu.sem_alloc : memref<!tpu.dma_semaphore, #tpu.memory_space<semaphore_mem>>
        %dma_start3A_118 = tpu.memref_slice %arg3[%add3A_58] : memref<442880xi32, #tpu.memory_space<hbm>> -> memref<256xi32, #tpu.memory_space<hbm>>
        %dma_start3A_119 = tpu.memref_slice %arg3[%add3A_58] : memref<442880xi32, #tpu.memory_space<hbm>> -> memref<256xi32, #tpu.memory_space<hbm>>
        tpu.enqueue_dma source(%dma_start3A_119 : memref<256xi32, #tpu.memory_space<hbm>>) target(%arg7 : memref<256xi32, #tpu.memory_space<vmem>>) target_semaphore(%run_scoped3A : memref<!tpu.dma_semaphore, #tpu.memory_space<semaphore_mem>>)
        %dma_wait3A_120 = tpu.memref_slice %arg3[%add3A_58] : memref<442880xi32, #tpu.memory_space<hbm>> -> memref<256xi32, #tpu.memory_space<hbm>>
        %dma_wait3A_121 = tpu.memref_slice %arg3[%add3A_58] : memref<442880xi32, #tpu.memory_space<hbm>> -> memref<256xi32, #tpu.memory_space<hbm>>
        tpu.wait_dma2 semaphore(%run_scoped3A : memref<!tpu.dma_semaphore, #tpu.memory_space<semaphore_mem>>) src(%dma_wait3A_121 : memref<256xi32, #tpu.memory_space<hbm>>) dst(%arg7 : memref<256xi32, #tpu.memory_space<vmem>>)
        tpu.yield
      }) : () -> ()
      %dma_start3A_59 = arith.constant 0 : i32
      %dma_start3A_60 = tpu.memref_slice %arg7[%dma_start3A_59] : memref<256xi32, #tpu.memory_space<vmem>> -> memref<128xi32, #tpu.memory_space<vmem>>
      %dma_start3A_61 = arith.constant 0 : i32
      %dma_start3A_62 = arith.constant 0 : i32
      %dma_start3A_63 = tpu.memref_slice %arg2[%dma_start3A_61, %dma_start3A_62] : memref<20480x128xbf16, #tpu.memory_space<hbm>> -> memref<20480x128xbf16, #tpu.memory_space<hbm>>
      tpu.enqueue_indirect_dma source(%dma_start3A_63 : memref<20480x128xbf16, #tpu.memory_space<hbm>>) target(%arg10 : memref<128x128xbf16, #tpu.memory_space<vmem>>) offsets(%dma_start3A_60 : memref<128xi32, #tpu.memory_space<vmem>>) semaphore(%arg15 : memref<!tpu.dma_semaphore, #tpu.memory_space<semaphore_mem>>)
      %dma_wait3A_64 = arith.constant 0 : i32
      %dma_wait3A_65 = tpu.memref_slice %arg5[%dma_wait3A_64] : memref<256xi32, #tpu.memory_space<vmem>> -> memref<128xi32, #tpu.memory_space<vmem>>
      %dma_wait3A_66 = arith.constant 0 : i32
      %dma_wait3A_67 = arith.constant 0 : i32
      %dma_wait3A_68 = tpu.memref_slice %arg2[%dma_wait3A_66, %dma_wait3A_67] : memref<20480x128xbf16, #tpu.memory_space<hbm>> -> memref<20480x128xbf16, #tpu.memory_space<hbm>>
      tpu.wait_indirect_dma semaphore(%arg13 : memref<!tpu.dma_semaphore, #tpu.memory_space<semaphore_mem>>) src(%dma_wait3A_68 : memref<20480x128xbf16, #tpu.memory_space<hbm>>) dst(%arg8 : memref<128x128xbf16, #tpu.memory_space<vmem>>)
      %dma_start3A_69 = arith.constant 128 : i32
      %dma_start3A_70 = tpu.memref_slice %arg5[%dma_start3A_69] : memref<256xi32, #tpu.memory_space<vmem>> -> memref<128xi32, #tpu.memory_space<vmem>>
      %dma_start3A_71 = arith.constant 0 : i32
      %dma_start3A_72 = arith.constant 0 : i32
      %dma_start3A_73 = tpu.memref_slice %arg12[%dma_start3A_71, %dma_start3A_72] : memref<9088x128xbf16, #tpu.memory_space<vmem_shared>> -> memref<9088x128xbf16, #tpu.memory_space<vmem_shared>>
      tpu.enqueue_indirect_dma source(%arg8 : memref<128x128xbf16, #tpu.memory_space<vmem>>) target(%dma_start3A_73 : memref<9088x128xbf16, #tpu.memory_space<vmem_shared>>) offsets(%dma_start3A_70 : memref<128xi32, #tpu.memory_space<vmem>>) semaphore(%arg16 : memref<!tpu.dma_semaphore, #tpu.memory_space<semaphore_mem>>) {add = true}
      %dma_wait3A_74 = arith.constant 128 : i32
      %dma_wait3A_75 = tpu.memref_slice %arg5[%dma_wait3A_74] : memref<256xi32, #tpu.memory_space<vmem>> -> memref<128xi32, #tpu.memory_space<vmem>>
      %dma_wait3A_76 = arith.constant 0 : i32
      %dma_wait3A_77 = arith.constant 0 : i32
      %dma_wait3A_78 = tpu.memref_slice %arg12[%dma_wait3A_76, %dma_wait3A_77] : memref<9088x128xbf16, #tpu.memory_space<vmem_shared>> -> memref<9088x128xbf16, #tpu.memory_space<vmem_shared>>
      tpu.wait_indirect_dma semaphore(%arg16 : memref<!tpu.dma_semaphore, #tpu.memory_space<semaphore_mem>>) src(%arg8 : memref<128x128xbf16, #tpu.memory_space<vmem>>) dst(%dma_wait3A_78 : memref<9088x128xbf16, #tpu.memory_space<vmem_shared>>)
      %add3A_79 = arith.constant 768 : i32
      %add3A_80 = arith.addi %add3A_54, %add3A_79 : i32
      "tpu.region"() ({
        %run_scoped3A = tpu.sem_alloc : memref<!tpu.dma_semaphore, #tpu.memory_space<semaphore_mem>>
        %dma_start3A_118 = tpu.memref_slice %arg3[%add3A_80] : memref<442880xi32, #tpu.memory_space<hbm>> -> memref<256xi32, #tpu.memory_space<hbm>>
        %dma_start3A_119 = tpu.memref_slice %arg3[%add3A_80] : memref<442880xi32, #tpu.memory_space<hbm>> -> memref<256xi32, #tpu.memory_space<hbm>>
        tpu.enqueue_dma source(%dma_start3A_119 : memref<256xi32, #tpu.memory_space<hbm>>) target(%arg5 : memref<256xi32, #tpu.memory_space<vmem>>) target_semaphore(%run_scoped3A : memref<!tpu.dma_semaphore, #tpu.memory_space<semaphore_mem>>)
        %dma_wait3A_120 = tpu.memref_slice %arg3[%add3A_80] : memref<442880xi32, #tpu.memory_space<hbm>> -> memref<256xi32, #tpu.memory_space<hbm>>
        %dma_wait3A_121 = tpu.memref_slice %arg3[%add3A_80] : memref<442880xi32, #tpu.memory_space<hbm>> -> memref<256xi32, #tpu.memory_space<hbm>>
        tpu.wait_dma2 semaphore(%run_scoped3A : memref<!tpu.dma_semaphore, #tpu.memory_space<semaphore_mem>>) src(%dma_wait3A_121 : memref<256xi32, #tpu.memory_space<hbm>>) dst(%arg5 : memref<256xi32, #tpu.memory_space<vmem>>)
        tpu.yield
      }) : () -> ()
      %dma_start3A_81 = arith.constant 0 : i32
      %dma_start3A_82 = tpu.memref_slice %arg5[%dma_start3A_81] : memref<256xi32, #tpu.memory_space<vmem>> -> memref<128xi32, #tpu.memory_space<vmem>>
      %dma_start3A_83 = arith.constant 0 : i32
      %dma_start3A_84 = arith.constant 0 : i32
      %dma_start3A_85 = tpu.memref_slice %arg2[%dma_start3A_83, %dma_start3A_84] : memref<20480x128xbf16, #tpu.memory_space<hbm>> -> memref<20480x128xbf16, #tpu.memory_space<hbm>>
      tpu.enqueue_indirect_dma source(%dma_start3A_85 : memref<20480x128xbf16, #tpu.memory_space<hbm>>) target(%arg8 : memref<128x128xbf16, #tpu.memory_space<vmem>>) offsets(%dma_start3A_82 : memref<128xi32, #tpu.memory_space<vmem>>) semaphore(%arg13 : memref<!tpu.dma_semaphore, #tpu.memory_space<semaphore_mem>>)
      %dma_wait3A_86 = arith.constant 0 : i32
      %dma_wait3A_87 = tpu.memref_slice %arg6[%dma_wait3A_86] : memref<256xi32, #tpu.memory_space<vmem>> -> memref<128xi32, #tpu.memory_space<vmem>>
      %dma_wait3A_88 = arith.constant 0 : i32
      %dma_wait3A_89 = arith.constant 0 : i32
      %dma_wait3A_90 = tpu.memref_slice %arg2[%dma_wait3A_88, %dma_wait3A_89] : memref<20480x128xbf16, #tpu.memory_space<hbm>> -> memref<20480x128xbf16, #tpu.memory_space<hbm>>
      tpu.wait_indirect_dma semaphore(%arg14 : memref<!tpu.dma_semaphore, #tpu.memory_space<semaphore_mem>>) src(%dma_wait3A_90 : memref<20480x128xbf16, #tpu.memory_space<hbm>>) dst(%arg9 : memref<128x128xbf16, #tpu.memory_space<vmem>>)
      %dma_start3A_91 = arith.constant 128 : i32
      %dma_start3A_92 = tpu.memref_slice %arg6[%dma_start3A_91] : memref<256xi32, #tpu.memory_space<vmem>> -> memref<128xi32, #tpu.memory_space<vmem>>
      %dma_start3A_93 = arith.constant 0 : i32
      %dma_start3A_94 = arith.constant 0 : i32
      %dma_start3A_95 = tpu.memref_slice %arg12[%dma_start3A_93, %dma_start3A_94] : memref<9088x128xbf16, #tpu.memory_space<vmem_shared>> -> memref<9088x128xbf16, #tpu.memory_space<vmem_shared>>
      tpu.enqueue_indirect_dma source(%arg9 : memref<128x128xbf16, #tpu.memory_space<vmem>>) target(%dma_start3A_95 : memref<9088x128xbf16, #tpu.memory_space<vmem_shared>>) offsets(%dma_start3A_92 : memref<128xi32, #tpu.memory_space<vmem>>) semaphore(%arg17 : memref<!tpu.dma_semaphore, #tpu.memory_space<semaphore_mem>>) {add = true}
      %dma_wait3A_96 = arith.constant 128 : i32
      %dma_wait3A_97 = tpu.memref_slice %arg6[%dma_wait3A_96] : memref<256xi32, #tpu.memory_space<vmem>> -> memref<128xi32, #tpu.memory_space<vmem>>
      %dma_wait3A_98 = arith.constant 0 : i32
      %dma_wait3A_99 = arith.constant 0 : i32
      %dma_wait3A_100 = tpu.memref_slice %arg12[%dma_wait3A_98, %dma_wait3A_99] : memref<9088x128xbf16, #tpu.memory_space<vmem_shared>> -> memref<9088x128xbf16, #tpu.memory_space<vmem_shared>>
      tpu.wait_indirect_dma semaphore(%arg17 : memref<!tpu.dma_semaphore, #tpu.memory_space<semaphore_mem>>) src(%arg9 : memref<128x128xbf16, #tpu.memory_space<vmem>>) dst(%dma_wait3A_100 : memref<9088x128xbf16, #tpu.memory_space<vmem_shared>>)
      %add3A_101 = arith.constant 1024 : i32
      %add3A_102 = arith.addi %add3A_54, %add3A_101 : i32
      "tpu.region"() ({
        %run_scoped3A = tpu.sem_alloc : memref<!tpu.dma_semaphore, #tpu.memory_space<semaphore_mem>>
        %dma_start3A_118 = tpu.memref_slice %arg3[%add3A_102] : memref<442880xi32, #tpu.memory_space<hbm>> -> memref<256xi32, #tpu.memory_space<hbm>>
        %dma_start3A_119 = tpu.memref_slice %arg3[%add3A_102] : memref<442880xi32, #tpu.memory_space<hbm>> -> memref<256xi32, #tpu.memory_space<hbm>>
        tpu.enqueue_dma source(%dma_start3A_119 : memref<256xi32, #tpu.memory_space<hbm>>) target(%arg6 : memref<256xi32, #tpu.memory_space<vmem>>) target_semaphore(%run_scoped3A : memref<!tpu.dma_semaphore, #tpu.memory_space<semaphore_mem>>)
        %dma_wait3A_120 = tpu.memref_slice %arg3[%add3A_102] : memref<442880xi32, #tpu.memory_space<hbm>> -> memref<256xi32, #tpu.memory_space<hbm>>
        %dma_wait3A_121 = tpu.memref_slice %arg3[%add3A_102] : memref<442880xi32, #tpu.memory_space<hbm>> -> memref<256xi32, #tpu.memory_space<hbm>>
        tpu.wait_dma2 semaphore(%run_scoped3A : memref<!tpu.dma_semaphore, #tpu.memory_space<semaphore_mem>>) src(%dma_wait3A_121 : memref<256xi32, #tpu.memory_space<hbm>>) dst(%arg6 : memref<256xi32, #tpu.memory_space<vmem>>)
        tpu.yield
      }) : () -> ()
      %dma_start3A_103 = arith.constant 0 : i32
      %dma_start3A_104 = tpu.memref_slice %arg6[%dma_start3A_103] : memref<256xi32, #tpu.memory_space<vmem>> -> memref<128xi32, #tpu.memory_space<vmem>>
      %dma_start3A_105 = arith.constant 0 : i32
      %dma_start3A_106 = arith.constant 0 : i32
      %dma_start3A_107 = tpu.memref_slice %arg2[%dma_start3A_105, %dma_start3A_106] : memref<20480x128xbf16, #tpu.memory_space<hbm>> -> memref<20480x128xbf16, #tpu.memory_space<hbm>>
      tpu.enqueue_indirect_dma source(%dma_start3A_107 : memref<20480x128xbf16, #tpu.memory_space<hbm>>) target(%arg9 : memref<128x128xbf16, #tpu.memory_space<vmem>>) offsets(%dma_start3A_104 : memref<128xi32, #tpu.memory_space<vmem>>) semaphore(%arg14 : memref<!tpu.dma_semaphore, #tpu.memory_space<semaphore_mem>>)
      %dma_wait3A_108 = arith.constant 0 : i32
      %dma_wait3A_109 = tpu.memref_slice %arg7[%dma_wait3A_108] : memref<256xi32, #tpu.memory_space<vmem>> -> memref<128xi32, #tpu.memory_space<vmem>>
      %dma_wait3A_110 = arith.constant 0 : i32
      %dma_wait3A_111 = arith.constant 0 : i32
      %dma_wait3A_112 = tpu.memref_slice %arg2[%dma_wait3A_110, %dma_wait3A_111] : memref<20480x128xbf16, #tpu.memory_space<hbm>> -> memref<20480x128xbf16, #tpu.memory_space<hbm>>
      tpu.wait_indirect_dma semaphore(%arg15 : memref<!tpu.dma_semaphore, #tpu.memory_space<semaphore_mem>>) src(%dma_wait3A_112 : memref<20480x128xbf16, #tpu.memory_space<hbm>>) dst(%arg10 : memref<128x128xbf16, #tpu.memory_space<vmem>>)
      %dma_start3A_113 = arith.constant 128 : i32
      %dma_start3A_114 = tpu.memref_slice %arg7[%dma_start3A_113] : memref<256xi32, #tpu.memory_space<vmem>> -> memref<128xi32, #tpu.memory_space<vmem>>
      %dma_start3A_115 = arith.constant 0 : i32
      %dma_start3A_116 = arith.constant 0 : i32
      %dma_start3A_117 = tpu.memref_slice %arg12[%dma_start3A_115, %dma_start3A_116] : memref<9088x128xbf16, #tpu.memory_space<vmem_shared>> -> memref<9088x128xbf16, #tpu.memory_space<vmem_shared>>
      tpu.enqueue_indirect_dma source(%arg10 : memref<128x128xbf16, #tpu.memory_space<vmem>>) target(%dma_start3A_117 : memref<9088x128xbf16, #tpu.memory_space<vmem_shared>>) offsets(%dma_start3A_114 : memref<128xi32, #tpu.memory_space<vmem>>) semaphore(%arg18 : memref<!tpu.dma_semaphore, #tpu.memory_space<semaphore_mem>>) {add = true}
    }
    %scan3A_28 = arith.constant 18 : i32
    %dma_wait3A = arith.constant 128 : i32
    %dma_wait3A_29 = tpu.memref_slice %arg7[%dma_wait3A] : memref<256xi32, #tpu.memory_space<vmem>> -> memref<128xi32, #tpu.memory_space<vmem>>
    %dma_wait3A_30 = arith.constant 0 : i32
    %dma_wait3A_31 = arith.constant 0 : i32
    %dma_wait3A_32 = tpu.memref_slice %arg12[%dma_wait3A_30, %dma_wait3A_31] : memref<9088x128xbf16, #tpu.memory_space<vmem_shared>> -> memref<9088x128xbf16, #tpu.memory_space<vmem_shared>>
    tpu.wait_indirect_dma semaphore(%arg18 : memref<!tpu.dma_semaphore, #tpu.memory_space<semaphore_mem>>) src(%arg10 : memref<128x128xbf16, #tpu.memory_space<vmem>>) dst(%dma_wait3A_32 : memref<9088x128xbf16, #tpu.memory_space<vmem_shared>>)
    %dma_wait3A_33 = arith.constant 0 : i32
    %dma_wait3A_34 = tpu.memref_slice %arg5[%dma_wait3A_33] : memref<256xi32, #tpu.memory_space<vmem>> -> memref<128xi32, #tpu.memory_space<vmem>>
    %dma_wait3A_35 = arith.constant 0 : i32
    %dma_wait3A_36 = arith.constant 0 : i32
    %dma_wait3A_37 = tpu.memref_slice %arg2[%dma_wait3A_35, %dma_wait3A_36] : memref<20480x128xbf16, #tpu.memory_space<hbm>> -> memref<20480x128xbf16, #tpu.memory_space<hbm>>
    tpu.wait_indirect_dma semaphore(%arg13 : memref<!tpu.dma_semaphore, #tpu.memory_space<semaphore_mem>>) src(%dma_wait3A_37 : memref<20480x128xbf16, #tpu.memory_space<hbm>>) dst(%arg8 : memref<128x128xbf16, #tpu.memory_space<vmem>>)
    %dma_wait3A_38 = arith.constant 0 : i32
    %dma_wait3A_39 = tpu.memref_slice %arg6[%dma_wait3A_38] : memref<256xi32, #tpu.memory_space<vmem>> -> memref<128xi32, #tpu.memory_space<vmem>>
    %dma_wait3A_40 = arith.constant 0 : i32
    %dma_wait3A_41 = arith.constant 0 : i32
    %dma_wait3A_42 = tpu.memref_slice %arg2[%dma_wait3A_40, %dma_wait3A_41] : memref<20480x128xbf16, #tpu.memory_space<hbm>> -> memref<20480x128xbf16, #tpu.memory_space<hbm>>
    tpu.wait_indirect_dma semaphore(%arg14 : memref<!tpu.dma_semaphore, #tpu.memory_space<semaphore_mem>>) src(%dma_wait3A_42 : memref<20480x128xbf16, #tpu.memory_space<hbm>>) dst(%arg9 : memref<128x128xbf16, #tpu.memory_space<vmem>>)
    %barrier3A_43 = arith.constant 0 : index
    tpu.barrier barrier_id(%barrier3A_43)
    "tpu.region"() ({
      %run_scoped3A = tpu.sem_alloc : memref<!tpu.dma_semaphore, #tpu.memory_space<semaphore_mem>>
      %dma_start3A_47 = arith.constant 0 : i32
      %dma_start3A_48 = tpu.memref_slice %arg12[%mul3A_6, %dma_start3A_47] : memref<9088x128xbf16, #tpu.memory_space<vmem_shared>> -> memref<568x128xbf16, #tpu.memory_space<vmem_shared>>
      %dma_start3A_49 = arith.constant 0 : i32
      %dma_start3A_50 = tpu.memref_slice %arg12[%mul3A_6, %dma_start3A_49] : memref<9088x128xbf16, #tpu.memory_space<vmem_shared>> -> memref<568x128xbf16, #tpu.memory_space<vmem_shared>>
      tpu.enqueue_dma source(%dma_start3A_50 : memref<568x128xbf16, #tpu.memory_space<vmem_shared>>) target(%arg11 : memref<568x128xbf16, #tpu.memory_space<vmem>>) target_semaphore(%run_scoped3A : memref<!tpu.dma_semaphore, #tpu.memory_space<semaphore_mem>>)
      %dma_wait3A_51 = arith.constant 0 : i32
      %dma_wait3A_52 = tpu.memref_slice %arg12[%mul3A_6, %dma_wait3A_51] : memref<9088x128xbf16, #tpu.memory_space<vmem_shared>> -> memref<568x128xbf16, #tpu.memory_space<vmem_shared>>
      %dma_wait3A_53 = arith.constant 0 : i32
      %dma_wait3A_54 = tpu.memref_slice %arg12[%mul3A_6, %dma_wait3A_53] : memref<9088x128xbf16, #tpu.memory_space<vmem_shared>> -> memref<568x128xbf16, #tpu.memory_space<vmem_shared>>
      tpu.wait_dma2 semaphore(%run_scoped3A : memref<!tpu.dma_semaphore, #tpu.memory_space<semaphore_mem>>) src(%dma_wait3A_54 : memref<568x128xbf16, #tpu.memory_space<vmem_shared>>) dst(%arg11 : memref<568x128xbf16, #tpu.memory_space<vmem>>)
      tpu.yield
    }) : () -> ()
    %mul3A_44 = arith.constant 9088 : i32
    %mul3A_45 = arith.muli %arg0, %mul3A_44 : i32
    %add3A_46 = arith.addi %mul3A_45, %mul3A_6 : i32
    "tpu.region"() ({
      %run_scoped3A = tpu.sem_alloc : memref<!tpu.dma_semaphore, #tpu.memory_space<semaphore_mem>>
      %dma_start3A_47 = arith.constant 0 : i32
      %dma_start3A_48 = tpu.memref_slice %arg4[%add3A_46, %dma_start3A_47] : memref<18176x128xbf16, #tpu.memory_space<hbm>> -> memref<568x128xbf16, #tpu.memory_space<hbm>>
      %dma_start3A_49 = arith.constant 0 : i32
      %dma_start3A_50 = tpu.memref_slice %arg4[%add3A_46, %dma_start3A_49] : memref<18176x128xbf16, #tpu.memory_space<hbm>> -> memref<568x128xbf16, #tpu.memory_space<hbm>>
      tpu.enqueue_dma source(%arg11 : memref<568x128xbf16, #tpu.memory_space<vmem>>) target(%dma_start3A_50 : memref<568x128xbf16, #tpu.memory_space<hbm>>) target_semaphore(%run_scoped3A : memref<!tpu.dma_semaphore, #tpu.memory_space<semaphore_mem>>)
      %dma_wait3A_51 = arith.constant 0 : i32
      %dma_wait3A_52 = tpu.memref_slice %arg4[%add3A_46, %dma_wait3A_51] : memref<18176x128xbf16, #tpu.memory_space<hbm>> -> memref<568x128xbf16, #tpu.memory_space<hbm>>
      %dma_wait3A_53 = arith.constant 0 : i32
      %dma_wait3A_54 = tpu.memref_slice %arg4[%add3A_46, %dma_wait3A_53] : memref<18176x128xbf16, #tpu.memory_space<hbm>> -> memref<568x128xbf16, #tpu.memory_space<hbm>>
      tpu.wait_dma2 semaphore(%run_scoped3A : memref<!tpu.dma_semaphore, #tpu.memory_space<semaphore_mem>>) src(%arg11 : memref<568x128xbf16, #tpu.memory_space<vmem>>) dst(%dma_wait3A_54 : memref<568x128xbf16, #tpu.memory_space<hbm>>)
      tpu.yield
    }) : () -> ()
    return
  }
}

module attributes {stable_mosaic.version = 14 : i64} {
  func.func @_prep_body(%arg0: memref<10000x128xf32, #tpu.memory_space<vmem>>, %arg1: memref<18176x1xf32, #tpu.memory_space<vmem>>, %arg2: memref<20480x1xf32, #tpu.memory_space<vmem>>, %arg3: memref<18176x1xf32, #tpu.memory_space<vmem>>, %arg4: memref<20480x1xf32, #tpu.memory_space<vmem>>, %arg5: memref<20480x128xbf16, #tpu.memory_space<vmem>>) attributes {dimension_semantics = [], scalar_prefetch = 0 : i64, scratch_operands = 0 : i64, tpu.core_type = #tpu.core_type<tc>} {
    %get3A = arith.constant 0 : index
    %get3A_0 = arith.constant 0 : index
    %get3A_1 = vector.load %arg1[%get3A, %get3A_0] : memref<18176x1xf32, #tpu.memory_space<vmem>>, vector<18176x1xf32>
    %gt3A = arith.constant 0.000000e+00 : f32
    %gt3A_2 = vector.broadcast %gt3A : f32 to vector<18176x1xf32>
    %gt3A_3 = arith.cmpf ogt, %get3A_1, %gt3A_2 : vector<18176x1xf32>
    %rsqrt3A = math.rsqrt %get3A_1 : vector<18176x1xf32>
    %jit3A = arith.constant 0.000000e+00 : f32
    %broadcast_in_dim3A = vector.broadcast %jit3A : f32 to vector<18176x1xf32>
    %select_n3A = arith.select %gt3A_3, %rsqrt3A, %broadcast_in_dim3A : vector<18176x1xi1>, vector<18176x1xf32>
    %swap3A = arith.constant 0 : index
    %swap3A_4 = arith.constant 0 : index
    %swap3A_5 = vector.load %arg3[%swap3A, %swap3A_4] : memref<18176x1xf32, #tpu.memory_space<vmem>>, vector<18176x1xf32>
    tpu.vector_store %arg3[%swap3A, %swap3A_4], %select_n3A {strides = array<i32>} : memref<18176x1xf32, #tpu.memory_space<vmem>>, vector<18176x1xf32>,
    %get3A_6 = arith.constant 0 : index
    %get3A_7 = arith.constant 0 : index
    %get3A_8 = vector.load %arg2[%get3A_6, %get3A_7] : memref<20480x1xf32, #tpu.memory_space<vmem>>, vector<20480x1xf32>
    %gt3A_9 = arith.constant 0.000000e+00 : f32
    %gt3A_10 = vector.broadcast %gt3A_9 : f32 to vector<20480x1xf32>
    %gt3A_11 = arith.cmpf ogt, %get3A_8, %gt3A_10 : vector<20480x1xf32>
    %rsqrt3A_12 = math.rsqrt %get3A_8 : vector<20480x1xf32>
    %jit3A_13 = arith.constant 0.000000e+00 : f32
    %broadcast_in_dim3A_14 = vector.broadcast %jit3A_13 : f32 to vector<20480x1xf32>
    %select_n3A_15 = arith.select %gt3A_11, %rsqrt3A_12, %broadcast_in_dim3A_14 : vector<20480x1xi1>, vector<20480x1xf32>
    %swap3A_16 = arith.constant 0 : index
    %swap3A_17 = arith.constant 0 : index
    %swap3A_18 = vector.load %arg4[%swap3A_16, %swap3A_17] : memref<20480x1xf32, #tpu.memory_space<vmem>>, vector<20480x1xf32>
    tpu.vector_store %arg4[%swap3A_16, %swap3A_17], %select_n3A_15 {strides = array<i32>} : memref<20480x1xf32, #tpu.memory_space<vmem>>, vector<20480x1xf32>,
    %get3A_19 = arith.constant 0 : index
    %get3A_20 = arith.constant 0 : index
    %get3A_21 = vector.load %arg0[%get3A_19, %get3A_20] : memref<10000x128xf32, #tpu.memory_space<vmem>>, vector<10000x128xf32>
    %broadcast_in_dim3A_22 = arith.constant 0.000000e+00 : f32
    %broadcast_in_dim3A_23 = vector.broadcast %broadcast_in_dim3A_22 : f32 to vector<240x128xf32>
    %concatenate3A = tpu.concatenate %get3A_21, %broadcast_in_dim3A_23 in 0 : vector<10000x128xf32>, vector<240x128xf32> -> vector<10240x128xf32>
    %slice3A = vector.extract_strided_slice %select_n3A_15 {offsets = [0, 0], sizes = [10240, 1], strides = [1, 1]} : vector<20480x1xf32> to vector<10240x1xf32>
    %mul3A = vector.broadcast %slice3A : vector<10240x1xf32> to vector<10240x128xf32>
    %mul3A_24 = arith.mulf %concatenate3A, %mul3A : vector<10240x128xf32>
    %slice3A_25 = vector.extract_strided_slice %select_n3A_15 {offsets = [10240, 0], sizes = [10240, 1], strides = [1, 1]} : vector<20480x1xf32> to vector<10240x1xf32>
    %mul3A_26 = vector.broadcast %slice3A_25 : vector<10240x1xf32> to vector<10240x128xf32>
    %mul3A_27 = arith.mulf %concatenate3A, %mul3A_26 : vector<10240x128xf32>
    %concatenate3A_28 = tpu.concatenate %mul3A_24, %mul3A_27 in 0 : vector<10240x128xf32>, vector<10240x128xf32> -> vector<20480x128xf32>
    %convert_element_type3A = arith.truncf %concatenate3A_28 : vector<20480x128xf32> to vector<20480x128xbf16>
    %swap3A_29 = arith.constant 0 : index
    %swap3A_30 = arith.constant 0 : index
    %swap3A_31 = vector.load %arg5[%swap3A_29, %swap3A_30] : memref<20480x128xbf16, #tpu.memory_space<vmem>>, vector<20480x128xbf16>
    tpu.vector_store %arg5[%swap3A_29, %swap3A_30], %convert_element_type3A {strides = array<i32>} : memref<20480x128xbf16, #tpu.memory_space<vmem>>, vector<20480x128xbf16>,
    return
  }
}

module attributes {stable_mosaic.version = 14 : i64} {
  func.func @_layerscale_body(%arg0: memref<10000x128xf32, #tpu.memory_space<vmem>>, %arg1: memref<18176x128xbf16, #tpu.memory_space<vmem>>, %arg2: memref<18176x1xf32, #tpu.memory_space<vmem>>, %arg3: memref<20480x1xf32, #tpu.memory_space<vmem>>, %arg4: memref<128x128xf32, #tpu.memory_space<vmem>>, %arg5: memref<128x128xf32, #tpu.memory_space<vmem>>, %arg6: memref<128x128xf32, #tpu.memory_space<vmem>>, %arg7: memref<128x128xf32, #tpu.memory_space<vmem>>, %arg8: memref<384x128xf32, #tpu.memory_space<vmem>>, %arg9: memref<384x128xf32, #tpu.memory_space<vmem>>, %arg10: memref<1x128xf32, #tpu.memory_space<vmem>>, %arg11: memref<1x128xf32, #tpu.memory_space<vmem>>, %arg12: memref<10000x128xf32, #tpu.memory_space<vmem>>, %arg13: memref<20480x128xbf16, #tpu.memory_space<vmem>>) attributes {dimension_semantics = [], scalar_prefetch = 0 : i64, scratch_operands = 0 : i64, tpu.core_type = #tpu.core_type<tc>} {
    %get3A = arith.constant 0 : index
    %get3A_0 = arith.constant 0 : index
    %get3A_1 = vector.load %arg8[%get3A, %get3A_0] : memref<384x128xf32, #tpu.memory_space<vmem>>, vector<384x128xf32>
    %get3A_2 = arith.constant 0 : index
    %get3A_3 = arith.constant 0 : index
    %get3A_4 = vector.load %arg4[%get3A_2, %get3A_3] : memref<128x128xf32, #tpu.memory_space<vmem>>, vector<128x128xf32>
    %slice3A = vector.extract_strided_slice %get3A_1 {offsets = [0, 0], sizes = [128, 128], strides = [1, 1]} : vector<384x128xf32> to vector<128x128xf32>
    %dot_general3A = arith.constant dense<0.000000e+00> : vector<128x128xf32>
    %dot_general3A_5 = tpu.matmul %get3A_4, %slice3A, %dot_general3A {dimension_numbers = #tpu.dot_dimension_numbers<[1], [0], [0], [1], [0, 0, 1, 1], [], []>, transpose_lhs_hint = false} : vector<128x128xf32>, vector<128x128xf32>, vector<128x128xf32> -> vector<128x128xf32>
    %get3A_6 = arith.constant 0 : index
    %get3A_7 = arith.constant 0 : index
    %get3A_8 = vector.load %arg5[%get3A_6, %get3A_7] : memref<128x128xf32, #tpu.memory_space<vmem>>, vector<128x128xf32>
    %slice3A_9 = vector.extract_strided_slice %get3A_1 {offsets = [128, 0], sizes = [128, 128], strides = [1, 1]} : vector<384x128xf32> to vector<128x128xf32>
    %dot_general3A_10 = arith.constant dense<0.000000e+00> : vector<128x128xf32>
    %dot_general3A_11 = tpu.matmul %get3A_8, %slice3A_9, %dot_general3A_10 {dimension_numbers = #tpu.dot_dimension_numbers<[1], [0], [0], [1], [0, 0, 1, 1], [], []>, transpose_lhs_hint = false} : vector<128x128xf32>, vector<128x128xf32>, vector<128x128xf32> -> vector<128x128xf32>
    %get3A_12 = arith.constant 0 : index
    %get3A_13 = arith.constant 0 : index
    %get3A_14 = vector.load %arg6[%get3A_12, %get3A_13] : memref<128x128xf32, #tpu.memory_space<vmem>>, vector<128x128xf32>
    %slice3A_15 = vector.extract_strided_slice %get3A_1 {offsets = [256, 0], sizes = [128, 128], strides = [1, 1]} : vector<384x128xf32> to vector<128x128xf32>
    %dot_general3A_16 = arith.constant dense<0.000000e+00> : vector<128x128xf32>
    %dot_general3A_17 = tpu.matmul %get3A_14, %slice3A_15, %dot_general3A_16 {dimension_numbers = #tpu.dot_dimension_numbers<[1], [0], [0], [1], [0, 0, 1, 1], [], []>, transpose_lhs_hint = false} : vector<128x128xf32>, vector<128x128xf32>, vector<128x128xf32> -> vector<128x128xf32>
    %get3A_18 = arith.constant 0 : index
    %get3A_19 = arith.constant 0 : index
    %get3A_20 = vector.load %arg7[%get3A_18, %get3A_19] : memref<128x128xf32, #tpu.memory_space<vmem>>, vector<128x128xf32>
    %get3A_21 = arith.constant 0 : index
    %get3A_22 = arith.constant 0 : index
    %get3A_23 = vector.load %arg9[%get3A_21, %get3A_22] : memref<384x128xf32, #tpu.memory_space<vmem>>, vector<384x128xf32>
    %slice3A_24 = vector.extract_strided_slice %get3A_23 {offsets = [128, 0], sizes = [128, 128], strides = [1, 1]} : vector<384x128xf32> to vector<128x128xf32>
    %dot_general3A_25 = arith.constant dense<0.000000e+00> : vector<128x128xf32>
    %dot_general3A_26 = tpu.matmul %get3A_20, %slice3A_24, %dot_general3A_25 {dimension_numbers = #tpu.dot_dimension_numbers<[1], [0], [0], [1], [0, 0, 1, 1], [], []>, transpose_lhs_hint = false} : vector<128x128xf32>, vector<128x128xf32>, vector<128x128xf32> -> vector<128x128xf32>
    %get3A_27 = arith.constant 0 : index
    %get3A_28 = arith.constant 0 : index
    %get3A_29 = vector.load %arg0[%get3A_27, %get3A_28] : memref<10000x128xf32, #tpu.memory_space<vmem>>, vector<10000x128xf32>
    %get3A_30 = arith.constant 0 : index
    %get3A_31 = arith.constant 0 : index
    %get3A_32 = vector.load %arg1[%get3A_30, %get3A_31] : memref<18176x128xbf16, #tpu.memory_space<vmem>>, vector<18176x128xbf16>
    %convert_element_type3A = arith.extf %get3A_32 : vector<18176x128xbf16> to vector<18176x128xf32>
    %get3A_33 = arith.constant 0 : index
    %get3A_34 = arith.constant 0 : index
    %get3A_35 = vector.load %arg2[%get3A_33, %get3A_34] : memref<18176x1xf32, #tpu.memory_space<vmem>>, vector<18176x1xf32>
    %slice3A_36 = vector.extract_strided_slice %get3A_35 {offsets = [0, 0], sizes = [9000, 1], strides = [1, 1]} : vector<18176x1xf32> to vector<9000x1xf32>
    %get3A_37 = arith.constant 0 : index
    %get3A_38 = arith.constant 0 : index
    %get3A_39 = vector.load %arg2[%get3A_37, %get3A_38] : memref<18176x1xf32, #tpu.memory_space<vmem>>, vector<18176x1xf32>
    %slice3A_40 = vector.extract_strided_slice %get3A_39 {offsets = [9088, 0], sizes = [9000, 1], strides = [1, 1]} : vector<18176x1xf32> to vector<9000x1xf32>
    %slice3A_41 = vector.extract_strided_slice %convert_element_type3A {offsets = [0, 0], sizes = [9000, 128], strides = [1, 1]} : vector<18176x128xf32> to vector<9000x128xf32>
    %mul3A = vector.broadcast %slice3A_36 : vector<9000x1xf32> to vector<9000x128xf32>
    %mul3A_42 = arith.mulf %mul3A, %slice3A_41 : vector<9000x128xf32>
    %dot_general3A_43 = arith.constant dense<0.000000e+00> : vector<9000x128xf32>
    %dot_general3A_44 = tpu.matmul %mul3A_42, %dot_general3A_5, %dot_general3A_43 {dimension_numbers = #tpu.dot_dimension_numbers<[1], [0], [0], [1], [0, 0, 1, 1], [], []>, transpose_lhs_hint = false} : vector<9000x128xf32>, vector<128x128xf32>, vector<9000x128xf32> -> vector<9000x128xf32>
    %slice3A_45 = vector.extract_strided_slice %get3A_29 {offsets = [0, 0], sizes = [9000, 128], strides = [1, 1]} : vector<10000x128xf32> to vector<9000x128xf32>
    %dot_general3A_46 = arith.constant dense<0.000000e+00> : vector<9000x128xf32>
    %dot_general3A_47 = tpu.matmul %slice3A_45, %dot_general3A_11, %dot_general3A_46 {dimension_numbers = #tpu.dot_dimension_numbers<[1], [0], [0], [1], [0, 0, 1, 1], [], []>, transpose_lhs_hint = false} : vector<9000x128xf32>, vector<128x128xf32>, vector<9000x128xf32> -> vector<9000x128xf32>
    %add3A = arith.addf %dot_general3A_44, %dot_general3A_47 : vector<9000x128xf32>
    %slice3A_48 = vector.extract_strided_slice %convert_element_type3A {offsets = [9088, 0], sizes = [9000, 128], strides = [1, 1]} : vector<18176x128xf32> to vector<9000x128xf32>
    %mul3A_49 = vector.broadcast %slice3A_40 : vector<9000x1xf32> to vector<9000x128xf32>
    %mul3A_50 = arith.mulf %mul3A_49, %slice3A_48 : vector<9000x128xf32>
    %dot_general3A_51 = arith.constant dense<0.000000e+00> : vector<9000x128xf32>
    %dot_general3A_52 = tpu.matmul %mul3A_50, %dot_general3A_17, %dot_general3A_51 {dimension_numbers = #tpu.dot_dimension_numbers<[1], [0], [0], [1], [0, 0, 1, 1], [], []>, transpose_lhs_hint = false} : vector<9000x128xf32>, vector<128x128xf32>, vector<9000x128xf32> -> vector<9000x128xf32>
    %add3A_53 = arith.addf %add3A, %dot_general3A_52 : vector<9000x128xf32>
    %get3A_54 = arith.constant 0 : index
    %get3A_55 = arith.constant 0 : index
    %get3A_56 = vector.load %arg10[%get3A_54, %get3A_55] : memref<1x128xf32, #tpu.memory_space<vmem>>, vector<1x128xf32>
    %add3A_57 = vector.broadcast %get3A_56 : vector<1x128xf32> to vector<9000x128xf32>
    %add3A_58 = arith.addf %add3A_53, %add3A_57 : vector<9000x128xf32>
    %slice3A_59 = vector.extract_strided_slice %get3A_29 {offsets = [9000, 0], sizes = [1000, 128], strides = [1, 1]} : vector<10000x128xf32> to vector<1000x128xf32>
    %dot_general3A_60 = arith.constant dense<0.000000e+00> : vector<1000x128xf32>
    %dot_general3A_61 = tpu.matmul %slice3A_59, %dot_general3A_26, %dot_general3A_60 {dimension_numbers = #tpu.dot_dimension_numbers<[1], [0], [0], [1], [0, 0, 1, 1], [], []>, transpose_lhs_hint = false} : vector<1000x128xf32>, vector<128x128xf32>, vector<1000x128xf32> -> vector<1000x128xf32>
    %get3A_62 = arith.constant 0 : index
    %get3A_63 = arith.constant 0 : index
    %get3A_64 = vector.load %arg11[%get3A_62, %get3A_63] : memref<1x128xf32, #tpu.memory_space<vmem>>, vector<1x128xf32>
    %add3A_65 = vector.broadcast %get3A_64 : vector<1x128xf32> to vector<1000x128xf32>
    %add3A_66 = arith.addf %dot_general3A_61, %add3A_65 : vector<1000x128xf32>
    %tanh3A = math.tanh %add3A_58 : vector<9000x128xf32>
    %tanh3A_67 = math.tanh %add3A_66 : vector<1000x128xf32>
    %concatenate3A = tpu.concatenate %tanh3A, %tanh3A_67 in 0 : vector<9000x128xf32>, vector<1000x128xf32> -> vector<10000x128xf32>
    %tanh3A_68 = math.tanh %concatenate3A : vector<10000x128xf32>
    %swap3A = arith.constant 0 : index
    %swap3A_69 = arith.constant 0 : index
    %swap3A_70 = vector.load %arg12[%swap3A, %swap3A_69] : memref<10000x128xf32, #tpu.memory_space<vmem>>, vector<10000x128xf32>
    tpu.vector_store %arg12[%swap3A, %swap3A_69], %tanh3A_68 {strides = array<i32>} : memref<10000x128xf32, #tpu.memory_space<vmem>>, vector<10000x128xf32>,
    %get3A_71 = arith.constant 0 : index
    %get3A_72 = arith.constant 0 : index
    %get3A_73 = vector.load %arg3[%get3A_71, %get3A_72] : memref<20480x1xf32, #tpu.memory_space<vmem>>, vector<20480x1xf32>
    %broadcast_in_dim3A = arith.constant 0.000000e+00 : f32
    %broadcast_in_dim3A_74 = vector.broadcast %broadcast_in_dim3A : f32 to vector<240x128xf32>
    %concatenate3A_75 = tpu.concatenate %tanh3A_68, %broadcast_in_dim3A_74 in 0 : vector<10000x128xf32>, vector<240x128xf32> -> vector<10240x128xf32>
    %slice3A_76 = vector.extract_strided_slice %get3A_73 {offsets = [0, 0], sizes = [10240, 1], strides = [1, 1]} : vector<20480x1xf32> to vector<10240x1xf32>
    %mul3A_77 = vector.broadcast %slice3A_76 : vector<10240x1xf32> to vector<10240x128xf32>
    %mul3A_78 = arith.mulf %concatenate3A_75, %mul3A_77 : vector<10240x128xf32>
    %slice3A_79 = vector.extract_strided_slice %get3A_73 {offsets = [10240, 0], sizes = [10240, 1], strides = [1, 1]} : vector<20480x1xf32> to vector<10240x1xf32>
    %mul3A_80 = vector.broadcast %slice3A_79 : vector<10240x1xf32> to vector<10240x128xf32>
    %mul3A_81 = arith.mulf %concatenate3A_75, %mul3A_80 : vector<10240x128xf32>
    %concatenate3A_82 = tpu.concatenate %mul3A_78, %mul3A_81 in 0 : vector<10240x128xf32>, vector<10240x128xf32> -> vector<20480x128xf32>
    %convert_element_type3A_83 = arith.truncf %concatenate3A_82 : vector<20480x128xf32> to vector<20480x128xbf16>
    %swap3A_84 = arith.constant 0 : index
    %swap3A_85 = arith.constant 0 : index
    %swap3A_86 = vector.load %arg13[%swap3A_84, %swap3A_85] : memref<20480x128xbf16, #tpu.memory_space<vmem>>, vector<20480x128xbf16>
    tpu.vector_store %arg13[%swap3A_84, %swap3A_85], %convert_element_type3A_83 {strides = array<i32>} : memref<20480x128xbf16, #tpu.memory_space<vmem>>, vector<20480x128xbf16>,
    return
  }
}

module attributes {stable_mosaic.version = 14 : i64} {
  func.func @_layerfinal_body(%arg0: memref<10000x128xf32, #tpu.memory_space<vmem>>, %arg1: memref<18176x128xbf16, #tpu.memory_space<vmem>>, %arg2: memref<18176x1xf32, #tpu.memory_space<vmem>>, %arg3: memref<10000x128xf32, #tpu.memory_space<vmem>>, %arg4: memref<128x128xf32, #tpu.memory_space<vmem>>, %arg5: memref<128x128xf32, #tpu.memory_space<vmem>>, %arg6: memref<128x128xf32, #tpu.memory_space<vmem>>, %arg7: memref<128x128xf32, #tpu.memory_space<vmem>>, %arg8: memref<384x128xf32, #tpu.memory_space<vmem>>, %arg9: memref<384x128xf32, #tpu.memory_space<vmem>>, %arg10: memref<1x128xf32, #tpu.memory_space<vmem>>, %arg11: memref<1x128xf32, #tpu.memory_space<vmem>>, %arg12: memref<384x128xf32, #tpu.memory_space<vmem>>, %arg13: memref<1x128xf32, #tpu.memory_space<vmem>>, %arg14: memref<10000x128xf32, #tpu.memory_space<vmem>>) attributes {dimension_semantics = [], scalar_prefetch = 0 : i64, scratch_operands = 0 : i64, tpu.core_type = #tpu.core_type<tc>} {
    %get3A = arith.constant 0 : index
    %get3A_0 = arith.constant 0 : index
    %get3A_1 = vector.load %arg8[%get3A, %get3A_0] : memref<384x128xf32, #tpu.memory_space<vmem>>, vector<384x128xf32>
    %get3A_2 = arith.constant 0 : index
    %get3A_3 = arith.constant 0 : index
    %get3A_4 = vector.load %arg4[%get3A_2, %get3A_3] : memref<128x128xf32, #tpu.memory_space<vmem>>, vector<128x128xf32>
    %slice3A = vector.extract_strided_slice %get3A_1 {offsets = [0, 0], sizes = [128, 128], strides = [1, 1]} : vector<384x128xf32> to vector<128x128xf32>
    %dot_general3A = arith.constant dense<0.000000e+00> : vector<128x128xf32>
    %dot_general3A_5 = tpu.matmul %get3A_4, %slice3A, %dot_general3A {dimension_numbers = #tpu.dot_dimension_numbers<[1], [0], [0], [1], [0, 0, 1, 1], [], []>, transpose_lhs_hint = false} : vector<128x128xf32>, vector<128x128xf32>, vector<128x128xf32> -> vector<128x128xf32>
    %get3A_6 = arith.constant 0 : index
    %get3A_7 = arith.constant 0 : index
    %get3A_8 = vector.load %arg5[%get3A_6, %get3A_7] : memref<128x128xf32, #tpu.memory_space<vmem>>, vector<128x128xf32>
    %slice3A_9 = vector.extract_strided_slice %get3A_1 {offsets = [128, 0], sizes = [128, 128], strides = [1, 1]} : vector<384x128xf32> to vector<128x128xf32>
    %dot_general3A_10 = arith.constant dense<0.000000e+00> : vector<128x128xf32>
    %dot_general3A_11 = tpu.matmul %get3A_8, %slice3A_9, %dot_general3A_10 {dimension_numbers = #tpu.dot_dimension_numbers<[1], [0], [0], [1], [0, 0, 1, 1], [], []>, transpose_lhs_hint = false} : vector<128x128xf32>, vector<128x128xf32>, vector<128x128xf32> -> vector<128x128xf32>
    %get3A_12 = arith.constant 0 : index
    %get3A_13 = arith.constant 0 : index
    %get3A_14 = vector.load %arg6[%get3A_12, %get3A_13] : memref<128x128xf32, #tpu.memory_space<vmem>>, vector<128x128xf32>
    %slice3A_15 = vector.extract_strided_slice %get3A_1 {offsets = [256, 0], sizes = [128, 128], strides = [1, 1]} : vector<384x128xf32> to vector<128x128xf32>
    %dot_general3A_16 = arith.constant dense<0.000000e+00> : vector<128x128xf32>
    %dot_general3A_17 = tpu.matmul %get3A_14, %slice3A_15, %dot_general3A_16 {dimension_numbers = #tpu.dot_dimension_numbers<[1], [0], [0], [1], [0, 0, 1, 1], [], []>, transpose_lhs_hint = false} : vector<128x128xf32>, vector<128x128xf32>, vector<128x128xf32> -> vector<128x128xf32>
    %get3A_18 = arith.constant 0 : index
    %get3A_19 = arith.constant 0 : index
    %get3A_20 = vector.load %arg7[%get3A_18, %get3A_19] : memref<128x128xf32, #tpu.memory_space<vmem>>, vector<128x128xf32>
    %get3A_21 = arith.constant 0 : index
    %get3A_22 = arith.constant 0 : index
    %get3A_23 = vector.load %arg9[%get3A_21, %get3A_22] : memref<384x128xf32, #tpu.memory_space<vmem>>, vector<384x128xf32>
    %slice3A_24 = vector.extract_strided_slice %get3A_23 {offsets = [128, 0], sizes = [128, 128], strides = [1, 1]} : vector<384x128xf32> to vector<128x128xf32>
    %dot_general3A_25 = arith.constant dense<0.000000e+00> : vector<128x128xf32>
    %dot_general3A_26 = tpu.matmul %get3A_20, %slice3A_24, %dot_general3A_25 {dimension_numbers = #tpu.dot_dimension_numbers<[1], [0], [0], [1], [0, 0, 1, 1], [], []>, transpose_lhs_hint = false} : vector<128x128xf32>, vector<128x128xf32>, vector<128x128xf32> -> vector<128x128xf32>
    %get3A_27 = arith.constant 0 : index
    %get3A_28 = arith.constant 0 : index
    %get3A_29 = vector.load %arg0[%get3A_27, %get3A_28] : memref<10000x128xf32, #tpu.memory_space<vmem>>, vector<10000x128xf32>
    %get3A_30 = arith.constant 0 : index
    %get3A_31 = arith.constant 0 : index
    %get3A_32 = vector.load %arg1[%get3A_30, %get3A_31] : memref<18176x128xbf16, #tpu.memory_space<vmem>>, vector<18176x128xbf16>
    %convert_element_type3A = arith.extf %get3A_32 : vector<18176x128xbf16> to vector<18176x128xf32>
    %get3A_33 = arith.constant 0 : index
    %get3A_34 = arith.constant 0 : index
    %get3A_35 = vector.load %arg2[%get3A_33, %get3A_34] : memref<18176x1xf32, #tpu.memory_space<vmem>>, vector<18176x1xf32>
    %slice3A_36 = vector.extract_strided_slice %get3A_35 {offsets = [0, 0], sizes = [9000, 1], strides = [1, 1]} : vector<18176x1xf32> to vector<9000x1xf32>
    %get3A_37 = arith.constant 0 : index
    %get3A_38 = arith.constant 0 : index
    %get3A_39 = vector.load %arg2[%get3A_37, %get3A_38] : memref<18176x1xf32, #tpu.memory_space<vmem>>, vector<18176x1xf32>
    %slice3A_40 = vector.extract_strided_slice %get3A_39 {offsets = [9088, 0], sizes = [9000, 1], strides = [1, 1]} : vector<18176x1xf32> to vector<9000x1xf32>
    %slice3A_41 = vector.extract_strided_slice %convert_element_type3A {offsets = [0, 0], sizes = [9000, 128], strides = [1, 1]} : vector<18176x128xf32> to vector<9000x128xf32>
    %mul3A = vector.broadcast %slice3A_36 : vector<9000x1xf32> to vector<9000x128xf32>
    %mul3A_42 = arith.mulf %mul3A, %slice3A_41 : vector<9000x128xf32>
    %dot_general3A_43 = arith.constant dense<0.000000e+00> : vector<9000x128xf32>
    %dot_general3A_44 = tpu.matmul %mul3A_42, %dot_general3A_5, %dot_general3A_43 {dimension_numbers = #tpu.dot_dimension_numbers<[1], [0], [0], [1], [0, 0, 1, 1], [], []>, transpose_lhs_hint = false} : vector<9000x128xf32>, vector<128x128xf32>, vector<9000x128xf32> -> vector<9000x128xf32>
    %slice3A_45 = vector.extract_strided_slice %get3A_29 {offsets = [0, 0], sizes = [9000, 128], strides = [1, 1]} : vector<10000x128xf32> to vector<9000x128xf32>
    %dot_general3A_46 = arith.constant dense<0.000000e+00> : vector<9000x128xf32>
    %dot_general3A_47 = tpu.matmul %slice3A_45, %dot_general3A_11, %dot_general3A_46 {dimension_numbers = #tpu.dot_dimension_numbers<[1], [0], [0], [1], [0, 0, 1, 1], [], []>, transpose_lhs_hint = false} : vector<9000x128xf32>, vector<128x128xf32>, vector<9000x128xf32> -> vector<9000x128xf32>
    %add3A = arith.addf %dot_general3A_44, %dot_general3A_47 : vector<9000x128xf32>
    %slice3A_48 = vector.extract_strided_slice %convert_element_type3A {offsets = [9088, 0], sizes = [9000, 128], strides = [1, 1]} : vector<18176x128xf32> to vector<9000x128xf32>
    %mul3A_49 = vector.broadcast %slice3A_40 : vector<9000x1xf32> to vector<9000x128xf32>
    %mul3A_50 = arith.mulf %mul3A_49, %slice3A_48 : vector<9000x128xf32>
    %dot_general3A_51 = arith.constant dense<0.000000e+00> : vector<9000x128xf32>
    %dot_general3A_52 = tpu.matmul %mul3A_50, %dot_general3A_17, %dot_general3A_51 {dimension_numbers = #tpu.dot_dimension_numbers<[1], [0], [0], [1], [0, 0, 1, 1], [], []>, transpose_lhs_hint = false} : vector<9000x128xf32>, vector<128x128xf32>, vector<9000x128xf32> -> vector<9000x128xf32>
    %add3A_53 = arith.addf %add3A, %dot_general3A_52 : vector<9000x128xf32>
    %get3A_54 = arith.constant 0 : index
    %get3A_55 = arith.constant 0 : index
    %get3A_56 = vector.load %arg10[%get3A_54, %get3A_55] : memref<1x128xf32, #tpu.memory_space<vmem>>, vector<1x128xf32>
    %add3A_57 = vector.broadcast %get3A_56 : vector<1x128xf32> to vector<9000x128xf32>
    %add3A_58 = arith.addf %add3A_53, %add3A_57 : vector<9000x128xf32>
    %slice3A_59 = vector.extract_strided_slice %get3A_29 {offsets = [9000, 0], sizes = [1000, 128], strides = [1, 1]} : vector<10000x128xf32> to vector<1000x128xf32>
    %dot_general3A_60 = arith.constant dense<0.000000e+00> : vector<1000x128xf32>
    %dot_general3A_61 = tpu.matmul %slice3A_59, %dot_general3A_26, %dot_general3A_60 {dimension_numbers = #tpu.dot_dimension_numbers<[1], [0], [0], [1], [0, 0, 1, 1], [], []>, transpose_lhs_hint = false} : vector<1000x128xf32>, vector<128x128xf32>, vector<1000x128xf32> -> vector<1000x128xf32>
    %get3A_62 = arith.constant 0 : index
    %get3A_63 = arith.constant 0 : index
    %get3A_64 = vector.load %arg11[%get3A_62, %get3A_63] : memref<1x128xf32, #tpu.memory_space<vmem>>, vector<1x128xf32>
    %add3A_65 = vector.broadcast %get3A_64 : vector<1x128xf32> to vector<1000x128xf32>
    %add3A_66 = arith.addf %dot_general3A_61, %add3A_65 : vector<1000x128xf32>
    %tanh3A = math.tanh %add3A_58 : vector<9000x128xf32>
    %tanh3A_67 = math.tanh %add3A_66 : vector<1000x128xf32>
    %concatenate3A = tpu.concatenate %tanh3A, %tanh3A_67 in 0 : vector<9000x128xf32>, vector<1000x128xf32> -> vector<10000x128xf32>
    %tanh3A_68 = math.tanh %concatenate3A : vector<10000x128xf32>
    %get3A_69 = arith.constant 0 : index
    %get3A_70 = arith.constant 0 : index
    %get3A_71 = vector.load %arg12[%get3A_69, %get3A_70] : memref<384x128xf32, #tpu.memory_space<vmem>>, vector<384x128xf32>
    %get3A_72 = arith.constant 0 : index
    %get3A_73 = arith.constant 0 : index
    %get3A_74 = vector.load %arg3[%get3A_72, %get3A_73] : memref<10000x128xf32, #tpu.memory_space<vmem>>, vector<10000x128xf32>
    %slice3A_75 = vector.extract_strided_slice %get3A_71 {offsets = [0, 0], sizes = [128, 128], strides = [1, 1]} : vector<384x128xf32> to vector<128x128xf32>
    %dot_general3A_76 = arith.constant dense<0.000000e+00> : vector<10000x128xf32>
    %dot_general3A_77 = tpu.matmul %get3A_74, %slice3A_75, %dot_general3A_76 {dimension_numbers = #tpu.dot_dimension_numbers<[1], [0], [0], [1], [0, 0, 1, 1], [], []>, transpose_lhs_hint = false} : vector<10000x128xf32>, vector<128x128xf32>, vector<10000x128xf32> -> vector<10000x128xf32>
    %get3A_78 = arith.constant 0 : index
    %get3A_79 = arith.constant 0 : index
    %get3A_80 = vector.load %arg0[%get3A_78, %get3A_79] : memref<10000x128xf32, #tpu.memory_space<vmem>>, vector<10000x128xf32>
    %slice3A_81 = vector.extract_strided_slice %get3A_71 {offsets = [128, 0], sizes = [128, 128], strides = [1, 1]} : vector<384x128xf32> to vector<128x128xf32>
    %dot_general3A_82 = arith.constant dense<0.000000e+00> : vector<10000x128xf32>
    %dot_general3A_83 = tpu.matmul %get3A_80, %slice3A_81, %dot_general3A_82 {dimension_numbers = #tpu.dot_dimension_numbers<[1], [0], [0], [1], [0, 0, 1, 1], [], []>, transpose_lhs_hint = false} : vector<10000x128xf32>, vector<128x128xf32>, vector<10000x128xf32> -> vector<10000x128xf32>
    %add3A_84 = arith.addf %dot_general3A_77, %dot_general3A_83 : vector<10000x128xf32>
    %slice3A_85 = vector.extract_strided_slice %get3A_71 {offsets = [256, 0], sizes = [128, 128], strides = [1, 1]} : vector<384x128xf32> to vector<128x128xf32>
    %dot_general3A_86 = arith.constant dense<0.000000e+00> : vector<10000x128xf32>
    %dot_general3A_87 = tpu.matmul %tanh3A_68, %slice3A_85, %dot_general3A_86 {dimension_numbers = #tpu.dot_dimension_numbers<[1], [0], [0], [1], [0, 0, 1, 1], [], []>, transpose_lhs_hint = false} : vector<10000x128xf32>, vector<128x128xf32>, vector<10000x128xf32> -> vector<10000x128xf32>
    %add3A_88 = arith.addf %add3A_84, %dot_general3A_87 : vector<10000x128xf32>
    %get3A_89 = arith.constant 0 : index
    %get3A_90 = arith.constant 0 : index
    %get3A_91 = vector.load %arg13[%get3A_89, %get3A_90] : memref<1x128xf32, #tpu.memory_space<vmem>>, vector<1x128xf32>
    %add3A_92 = vector.broadcast %get3A_91 : vector<1x128xf32> to vector<10000x128xf32>
    %add3A_93 = arith.addf %add3A_88, %add3A_92 : vector<10000x128xf32>
    %swap3A = arith.constant 0 : index
    %swap3A_94 = arith.constant 0 : index
    %swap3A_95 = vector.load %arg14[%swap3A, %swap3A_94] : memref<10000x128xf32, #tpu.memory_space<vmem>>, vector<10000x128xf32>
    tpu.vector_store %arg14[%swap3A, %swap3A_94], %add3A_93 {strides = array<i32>} : memref<10000x128xf32, #tpu.memory_space<vmem>>, vector<10000x128xf32>,
    return
  }
}

</mosaic_0001>

<sc_bundles>
// kernel: kernel.11.cloned.1.call-start
scs
__scs_entry_jumppad:
0x0: {  	(pc) =	sbr.rel $0x88, $3  }
0x1: {  	(tag) =	ssettag $0x0;
	lr =	simm.s32 $0x1  }
0x2: {  	[smem:$0x3F8D] =	sst lr;
	_ =	strace $0xD0000000  }
0x3: {  	_ = 	snop  }
0x4: {  	_ = 	snop  }
0x5: {  	_ = 	snop  }
0x6: {  	_ = 	snop  }
0x7: {  	_ = 	snop  }
__scs_overlays_trampoline_lowered:
0x8: {  	[smem:$0x3F9C] =	sst s0  }
0x9: {  	[smem:$0x3F9D] =	sst s1  }
0xa: {  	[smem:$0x3F9E] =	sst s2  }
0xb: {  	[smem:$0x3F9F] =	sst s3  }
0xc: {  	[smem:$0x3FA0] =	sst s4  }
0xd: {  	[smem:$0x3FA1] =	sst s5  }
0xe: {  	[smem:$0x3FA2] =	sst s6  }
0xf: {  	[smem:$0x3FA3] =	sst s7  }
0x10: {  	[smem:$0x3FA4] =	sst s8  }
0x11: {  	[smem:$0x3FA5] =	sst s9;
	s0 =	simm.s32 @!p0 $0x0  }
0x12: {  	s1 =	sld [smem:$0x3F8B];
	s0 =	simm.s32 @p0 $0x1  }
0x13: {  	[smem:$0x3FA6] =	sst s0;
	s0 =	simm.s32 @!p1 $0x0  }
0x14: {  	s2 =	sld [smem:$0x3F8A];
	s0 =	simm.s32 @p1 $0x1  }
0x15: {  	[smem:$0x3FA7] =	sst s0;
	s0 =	simm.s32 @!p2 $0x0  }
0x16: {  	s3 =	sld [smem:$0x3FDB];
	s0 =	simm.s32 @p2 $0x1  }
0x17: {  	s4 =	simm.s32 $0x1BF5;
	[smem:$0x3FA9] =	sst s0  }
0x18: {  	s0 =	sld [smem:$0x3F8C];
	_ =	swait.ge [sflag:s4], $0x0  }
0x19: {  	s7 =	sld [smem:$0x3F8D]  }
0x1a: {  	s8 =	sadd.s32 $0xFFFFE003, lr  }
0x1b: {  	s9 =	sadd.s32 $0xFFFFFEF7, lr;
	s5 =	simm.s32 $0xFFFFFFFF;
	p2 =	slt.u32 s8, $0xFFFFF086  }
0x1c: {  	p1 =	slt.u32 s9, $0xF7A;
	s5 =	simm.s32 @!p2 $0x0  }
0x1d: {  	s5 =	simm.s32 @p1 $0x1;
	p0 =	seq.s32 s7, s2  }
0x1e: {  	s7 =	smul.u32 @!p0 $0xF7A, s2;
	p2 =	seq.s32 @!p0 s5, $0x0  }
0x1f: {  	s9 =	smul.u32 $0xF7A, s1;
	s8 =	simm.s32 @!p0 $0x1BF5;
	p2 =	por !p2, p0  }
0x20: {  	[sflag:s8] =	ssyncset.s32 @!p0 $0xFFFFF086;
	s6 =	sadd.s32 @!p0 s3, s7;
	s7 =	simm.s32 @!p0 $0x108  }
0x21: {  	s3 =	sadd.s32 s3, s9;
	s6 =	sadd.s32 @!p0 $0x88, s6;
	s7 =	simm.s32 @p2 $0x1082  }
0x22: {  	[simem:s7], [sflag:s8] =	dma.local @!p0 [hbm:s6], $0xF7A  }
0x23: {  	s9 =	sor.u32 $0xD0000000, s2;
	s6 =	simm.s32 $0x108;
	_ =	swait.ge @!p0 [sflag:s8], $0x0  }
0x24: {  	s3 =	sadd.s32 $0x88, s3;
	s6 =	simm.s32 @!p1 $0x1082;
	[sflag:s4] =	ssyncset.s32 $0xFFFFF086  }
0x25: {  	[simem:s6], [sflag:s4] =	dma.local [hbm:s3], $0xF7A  }
0x26: {  	[smem:$0x3F8D] =	sst s1;
	(tag) =	ssettag s2;
	_ =	strace s9  }
0x27: {  	s1 =	sld [smem:$0x3F9D]  }
0x28: {  	s2 =	sld [smem:$0x3F9E]  }
0x29: {  	s4 =	sld [smem:$0x3FA0]  }
0x2a: {  	p0 =	seq.s32 s5, $0x0;
	s5 =	sld [smem:$0x3FA1]  }
0x2b: {  	s6 =	sld [smem:$0x3FA2]  }
0x2c: {  	s7 =	sld [smem:$0x3FA3]  }
0x2d: {  	s3 =	simm.s32 $0x108;
	s8 =	sld [smem:$0x3FA4]  }
0x2e: {  	s3 =	simm.s32 @!p0 $0x1082;
	s9 =	sld [smem:$0x3FA5]  }
0x2f: {  	lr =	sadd.s32 s0, s3;
	s0 =	sld [smem:$0x3F9C]  }
0x30: {  	s3 =	sld [smem:$0x3F9F]  }
0x31: {  	[smem:$0x3FA8] =	sst s10  }
0x32: {  	s10 =	sld [smem:$0x3FA6];
	_ =	sdelay $0x3  }
0x33: {  	p0 =	seq.s32 s10, $0x1;
	s10 =	sld [smem:$0x3FA8];
	_ =	sdelay $0x3  }
0x34: {  	[smem:$0x3FA8] =	sst s10  }
0x35: {  	s10 =	sld [smem:$0x3FA7];
	_ =	sdelay $0x3  }
0x36: {  	p1 =	seq.s32 s10, $0x1;
	s10 =	sld [smem:$0x3FA8];
	_ =	sdelay $0x3  }
0x37: {  	[smem:$0x3FA8] =	sst s10  }
0x38: {  	s10 =	sld [smem:$0x3FA9]  }
0x39: {  	_ = 	snop;
	(pc) =	sbr.ind lr, $3  }
0x3a: {  	_ = 	snop  }
0x3b: {  	_ = 	snop  }
0x3c: {  	p2 =	seq.s32 s10, $0x1;
	s10 =	sld [smem:$0x3FA8]  }
0x3d: {  	_ =	shalt  }
0x3e: {  	_ =	shalt  }
0x3f: {  	_ =	shalt  }
0x40: {  	_ =	shalt  }
0x41: {  	_ =	shalt  }
0x42: {  	_ =	shalt  }
0x43: {  	_ =	shalt  }
0x44: {  	_ =	shalt  }
0x45: {  	_ =	shalt  }
0x46: {  	_ =	shalt  }
0x47: {  	_ =	shalt  }
0x48: {  	_ =	shalt  }
0x49: {  	_ =	shalt  }
0x4a: {  	_ =	shalt  }
0x4b: {  	_ =	shalt  }
0x4c: {  	_ =	shalt  }
0x4d: {  	_ =	shalt  }
0x4e: {  	_ =	shalt  }
0x4f: {  	_ =	shalt  }
0x50: {  	_ =	shalt  }
0x51: {  	_ =	shalt  }
0x52: {  	_ =	shalt  }
0x53: {  	_ =	shalt  }
0x54: {  	_ =	shalt  }
0x55: {  	_ =	shalt  }
0x56: {  	_ =	shalt  }
0x57: {  	_ =	shalt  }
0x58: {  	_ =	shalt  }
0x59: {  	_ =	shalt  }
0x5a: {  	_ =	shalt  }
0x5b: {  	_ =	shalt  }
0x5c: {  	_ =	shalt  }
0x5d: {  	_ =	shalt  }
0x5e: {  	_ =	shalt  }
0x5f: {  	_ =	shalt  }
0x60: {  	_ =	shalt  }
0x61: {  	_ =	shalt  }
0x62: {  	_ =	shalt  }
0x63: {  	_ =	shalt  }
0x64: {  	_ =	shalt  }
0x65: {  	_ =	shalt  }
0x66: {  	_ =	shalt  }
0x67: {  	_ =	shalt  }
0x68: {  	_ =	shalt  }
0x69: {  	_ =	shalt  }
0x6a: {  	_ =	shalt  }
0x6b: {  	_ =	shalt  }
0x6c: {  	_ =	shalt  }
0x6d: {  	_ =	shalt  }
0x6e: {  	_ =	shalt  }
0x6f: {  	_ =	shalt  }
0x70: {  	_ =	shalt  }
0x71: {  	_ =	shalt  }
0x72: {  	_ =	shalt  }
0x73: {  	_ =	shalt  }
0x74: {  	_ =	shalt  }
0x75: {  	_ =	shalt  }
0x76: {  	_ =	shalt  }
0x77: {  	_ =	shalt  }
0x78: {  	_ =	shalt  }
0x79: {  	_ =	shalt  }
0x7a: {  	_ =	shalt  }
0x7b: {  	_ =	shalt  }
0x7c: {  	_ =	shalt  }
0x7d: {  	_ =	shalt  }
0x7e: {  	_ =	shalt  }
0x7f: {  	_ =	shalt  }
0x80: {  	_ =	shalt  }
0x81: {  	_ =	shalt  }
0x82: {  	_ =	shalt  }
0x83: {  	_ =	shalt  }
0x84: {  	_ =	shalt  }
0x85: {  	_ =	shalt  }
0x86: {  	_ =	shalt  }
0x87: {  	_ =	shalt  }
.Lfunc_end0:
.L_simem_size_0:
called_computation.1_lowered:
.L_overlay_start_0:
0x88: {  	s2 =	sld [smem:$0x3FD9]  }
0x89: {  	s3 =	sld [smem:$0x3FFE];
	_ =	sdelay $0x1  }
0x8a: {  	s1 =	srdreg.scid  }
0x8b: {  	s0 =	sand.u32 $0x1, s1  }
0x8c: {  	s17 =	sshll.u32 s0, $0xA;
	s2 =	sadd.s32 s3, s2  }
0x8d: {  	s2 =	sadd.s32 s2, s17  }
0x8e: {  	[smem:$0x3FB4] =	sst s2  }
0x8f: {  	_ = 	snop  }
0x90: {  	s2 =	sld [smem:$0x3FD0];
	(tm) =	ssettm $0x1  }
0x91: {  	s18 =	sld [smem:$0x3FFB];
	_ =	sdelay $0x3  }
0x92: {  	_ =	strace s18  }
0x93: {  	s3 =	sld [smem:$0x3FFC];
	_ =	sdelay $0x3  }
0x94: {  	_ =	strace s3  }
0x95: {  	s3 =	sld [smem:$0x3FFD];
	_ =	sdelay $0x3  }
0x96: {  	_ =	strace s3  }
0x97: {  	_ =	strace $0x8FFFFFFF  }
0x98: {  	s19 =	sld [smem:$0x3FDB];
	_ =	sdelay $0x1  }
0x99: {  	s4 =	simm.s32 $_scs_section_size  }
0x9a: {  	s5 =	simm.s32 $_size__tile_overlayer_lowered;
	s6 =	simm.s32 $_tile_overlayer_lowered  }
0x9b: {  	s22 =	simm.s32 $0x1BFF;
	s21 =	sshll.u32 s6, $0x1;
	s3 =	sadd.s32 s4, s19  }
0x9c: {  	s7 =	simm.s32 $0x0;
	s20 =	sshll.u32 s5, $0x1;
	s5 =	sadd.s32 s21, s3  }
0x9d: {  	[timem:s7], [sflag:s22] =	dma.local [hbm:s5], s20  }
0x9e: {  	_ =	swait.ge [sflag:s22], s20  }
0x9f: {  	s4 =	ssub.s32 $0x0, s20;
	[sflag:s22] =	ssyncset.done $0x0  }
0xa0: {  	[sflag:s22] =	ssyncadd.s32 s4;
	_ =	sdelay $0x1  }
0xa1: {  	s23 =	simm.s32 $0x1B8B  }
0xa2: {  	_ =	swait.ge [sflag:s23], $0x1  }
0xa3: {  	[sflag:s23] =	ssyncset.done $0x0  }
0xa4: {  	s25 =	simm.s32 $0x1B8E;
	s24 =	sld [smem:$0x3FFE];
	[sflag:s23] =	ssyncadd.s32 $0xFFFFFFFF  }
0xa5: {  	s26 =	simm.s32 $execute0_lowered;
	[smem:$0x3FD2] =	sst s25  }
0xa6: {  	s5 =	sshll.u32 s26, $0x1;
	_ =	strace $0x80000049;
	[dreg:$0x1] =	wrdreg $0xFFFFFFFF  }
0xa7: {  	s28 =	simm.s32 $_size_execute0_lowered;
	s3 =	sadd.s32 s3, s5;
	[dreg:$0x0] =	wrdreg $0x0  }
0xa8: {  	s5 =	sshll.u32 s28, $0x1;
	[dreg:$0x2] =	wrdreg s3  }
0xa9: {  	[dreg:$0x3] =	wrdreg s5  }
0xaa: {  	[dreg:$0x4] =	wrdreg $0xC0  }
0xab: {  	_ =	task [dreg:s7], $0x5FFFF  }
0xac: {  	[dreg:$0x1] =	wrdreg $0xFFFFFFFF  }
0xad: {  	[dreg:$0x0] =	wrdreg $0x60  }
0xae: {  	[dreg:$0x2] =	wrdreg s24  }
0xaf: {  	[dreg:$0x3] =	wrdreg s2  }
0xb0: {  	[dreg:$0x4] =	wrdreg $0xF1000  }
0xb1: {  	[dreg:$0x5] =	wrdreg $0x9  }
0xb2: {  	_ =	task.clear_ibuf [dreg:s7], $0x6FFFF;
	_ =	strace $0x90000049  }
0xb3: {  	s29 =	simm.s32 $0x9;
	_ =	strace $0x8000004B  }
0xb4: {  	_ =	swait.ge [sflag:s29], $0x1  }
0xb5: {  	[sflag:s29] =	ssyncadd.s32 $0xFFFFFFFF  }
0xb6: {  	_ =	strace $0x9000004B  }
0xb7: {  	_ =	sfence  }
0xb8: {  	s30 =	sld [smem:$0x0];
	_ =	sdelay $0x2  }
0xb9: {  	s31 =	sshll.u32 s1, $0xD;
	s1 =	sshrl.u32 s1, $0x2  }
0xba: {  	s3 =	sand.u32 $0x4000, s31;
	s1 =	sadd.s32 s1, s30  }
0xbb: {  	s0 =	sor.u32 s3, s0;
	s1 =	sshll.u32 s1, $0x11  }
0xbc: {  	s0 =	sor.u32 s1, s0  }
0xbd: {  	s0 =	sadd.s32 $0x8F2B, s0  }
0xbe: {  	[sflag:s0] =	ssyncadd.remote.s32 $0x1  }
0xbf: {  	_ =	sfence.sel $0xFFFF  }
0xc0: {  	[dreg:$0x0] =	wrdreg $0xFFFFFFFF;
	(pc) =	sbr.abs _section_cstart, $3  }
0xc1: {  	[dreg:$0x1] =	wrdreg $0xFFFFFFFF  }
0xc2: {  	_ =	task.clear_ibuf [dreg:s7], $0x2FFFF;
	_ =	strace $0x9FFFFFFF  }
0xc3: {  	(tm) =	ssettm $0x7FFFFFFF  }
tec
execute0_lowered:
.L_overlay_start_1:
0x0: {  	(tag) =	ssettag $0x1  }
0x1: {  	s0 =	rddreg [dreg:$0x0]  }
0x2: {  	s2 =	rddreg [dreg:$0x1]  }
0x3: {  	s1 =	rddreg [dreg:$0x2]  }
0x4: {  	s3 =	simm.s32 $0x0;
	s4 =	srdreg.scid;
	s11 =	stileid.u32  }
0x5: {  	s16 =	simm.s32 $0x6300;
	s17 =	simm.s32 $0x7;
	s8 =	smul.u32 $0x1B00, s11  }
0x6: {  	s28 =	simm.s32 $0x180;
	s29 =	simm.s32 $0x5;
	s10 =	smul.u32 $0x23800, s11  }
0x7: {  	s30 =	simm.s32 $0x3;
	s31 =	simm.s32 $0x280;
	s18 =	smul.u32 $0x11C0, s11  }
0x8: {  	[smem:$0x7FF] =	sst s3;
	s6 =	sand.u32 $0x1, s4;
	s13 =	smul.u32 $0x3600, s11  }
0x9: {  	s4 =	sadd.s32 $0x16200, s0;
	s0 =	sadd.s32 $0x8800, s0;
	s5 =	smul.u32 $0x1B000, s6  }
0xa: {  	_ =	strace $0x8000004A;
	s7 =	ssub.s32 $0x2, s6;
	s20 =	smul.u32 $0x11C00, s6  }
0xb: {  	s12 =	smul.u32 $0x36000, s6;
	s9 =	sshrl.u32 s7, $0x1;
	s19 =	sshrl.u32 s10, $0x2  }
0xc: {  	s7 =	ssub.s32 s7, s9;
	s8 =	sadd.s32 s8, s5;
	s5 =	sadd.s32 s19, s1  }
0xd: {  	s21 =	sadd.s32 s18, s20;
	s24 =	sadd.s32 s13, s12;
	s18 =	simm.s32 $0x80  }
0xe: {  	s19 =	simm.s32 $0x300;
	s20 =	simm.s32 $0x100;
	s8 =	sshrl.u32 s8, $0x2  }
0xf: {  	s2 =	sadd.s32 s2, s21;
	s23 =	smax.u32 s7, $0x1;
	s25 =	sadd.s32 $0x700, s24  }
0x10: {  	s26 =	sadd.s32 $0x600, s24;
	s21 =	simm.s32 $0x2300;
	[dreg:$0x5] =	wrdreg s2  }
0x11: {  	s6 =	sadd.s32 s0, s8;
	[dreg:$0x6] =	wrdreg s23;
	s7 =	sshrl.u32 s25, $0x3  }
0x12: {  	s8 =	sshrl.u32 s26, $0x3;
	s2 =	sadd.s32 $0x500, s24;
	s23 =	simm.s32 $0x4300  }
0x13: {  	s24 =	simm.s32 $0x1;
	s25 =	simm.s32 $0x4;
	s26 =	simm.s32 $0x2  }
0x14: {  	s22 =	sadd.s32 $0x20, s6;
	s10 =	sadd.s32 $0x40, s6;
	s11 =	sadd.s32 $0x60, s6  }
0x15: {  	s12 =	sadd.s32 $0x80, s6;
	s13 =	sadd.s32 s7, s0;
	s2 =	sshrl.u32 s2, $0x3  }
0x16: {  	s14 =	sadd.s32 s8, s0;
	[dreg:$0x4] =	wrdreg s22;
	s15 =	sadd.s32 s2, s0  }
0x17: {  	v0 =	vimm.bf16 $0.0e+00;
	s22 =	simm.s32 $0x200;
	s0 =	simm.s32 $0x6;
	s2 =	simm.s32 $0x0  }
.LBB2_1:
0x18: {  	s8 =	simm.s32 $0x100;
	s7 =	simm.s32 $0x0  }
.LBB2_2:
0x19: {  	p0 =	sne.s32 s8, $0x23700;
	[tilespmem:s7+$0x6330] =	vst v0;
	s9 =	smov.u32 s8;
	s8 =	sadd.s32 $0x100, s8  }
.Ltmp0:
0x1a: {  	[tilespmem:s7+$0x6320] =	vst v0;
	(pc) =	sbr.rel @p0 .LBB2_2-.Ltmp0, $3  }
0x1b: {  	[tilespmem:s7+$0x6300] =	vst v0  }
0x1c: {  	[tilespmem:s7+$0x6310] =	vst v0;
	_ =	sdelay $0x1  }
0x1d: {  	s7 =	sshra.s32 s9, $0x2  }
0x1e: {  	[tilespmem:s7+$0x6330] =	vst v0  }
0x1f: {  	[tilespmem:s7+$0x6320] =	vst v0  }
0x20: {  	[tilespmem:s7+$0x6300] =	vst v0  }
0x21: {  	[tilespmem:s7+$0x6310] =	vst v0  }
0x22: {  	[spmem:s5] =	stream.linear.scatter [tilespmem:s16], [sflag:$0x7], $0x8E00, $0x38;
	[tilespmem:$0x17F00] =	vst v63  }
0x23: {  	_ =	swait.ge [sflag:s17], $0x8E00  }
0x24: {  	[sflag:s17] =	ssyncset.done $0x0  }
0x25: {  	[sflag:s17] =	ssyncadd.s32 $0xFFFF7200  }
0x26: {  	s9 =	simm.s32 $0x0;
	[bflag:$0x0] =	sbarrier.arrive $0xFFFF  }
0x27: {  	[tilespmem:s9], [sflag:$0x7] =	stream.linear.gather [hbm4b:s6+s9], $0x100, $0x38;
	[tilespmem:$0x17F00] =	vst v63  }
0x28: {  	_ =	swait.ge [sflag:s17], $0x100  }
0x29: {  	[sflag:s17] =	ssyncset.done $0x0  }
0x2a: {  	[sflag:s17] =	ssyncadd.s32 $0xFFFFFF00  }
0x2b: {  	[tilespmem:s19], [sflag:$0x1] =	stream.indirect.gather [hbm4b:s4+s18], $0x40, s9, s18, $0xb8;
	[tilespmem:$0x17F00] =	vst v63  }
0x2c: {  	s8 =	rddreg [dreg:$0x4]  }
0x2d: {  	[tilespmem:s20], [sflag:$0x7] =	stream.linear.gather [hbm4b:s8+s9], $0x100, $0x38;
	[tilespmem:$0x17F00] =	vst v63  }
0x2e: {  	_ =	swait.ge [sflag:s17], $0x100  }
0x2f: {  	[sflag:s17] =	ssyncset.done $0x0  }
0x30: {  	[sflag:s17] =	ssyncadd.s32 $0xFFFFFF00  }
0x31: {  	[tilespmem:s21], [sflag:$0x2] =	stream.indirect.gather [hbm4b:s4+s18], $0x40, s20, s18, $0xb8;
	[tilespmem:$0x17F00] =	vst v63  }
0x32: {  	_ = 	snop  }
0x33: {  	[tilespmem:s22], [sflag:$0x7] =	stream.linear.gather [hbm4b:s10+s9], $0x100, $0x38;
	[tilespmem:$0x17F00] =	vst v63  }
0x34: {  	_ =	swait.ge [sflag:s17], $0x100  }
0x35: {  	[sflag:s17] =	ssyncset.done $0x0  }
0x36: {  	[sflag:s17] =	ssyncadd.s32 $0xFFFFFF00  }
0x37: {  	[tilespmem:s23], [sflag:$0x3] =	stream.indirect.gather [hbm4b:s4+s18], $0x40, s22, s18, $0xb8;
	[tilespmem:$0x17F00] =	vst v63  }
0x38: {  	_ =	swait.ge [sflag:s24], $0x2000  }
0x39: {  	[sflag:s24] =	ssyncset.done $0x0  }
0x3a: {  	[sflag:s24] =	ssyncadd.s32 $0xFFFFE000  }
0x3b: {  	[spmem:s1] =	stream.indirect.scatter.add.bf16 [tilespmem:s19], [sflag:$0x4], $0x40, s18, s18, $0xb8;
	[tilespmem:$0x17F00] =	vst v63  }
0x3c: {  	_ =	swait.ge [sflag:s25], $0x2000  }
0x3d: {  	[sflag:s25] =	ssyncset.done $0x0  }
0x3e: {  	[sflag:s25] =	ssyncadd.s32 $0xFFFFE000  }
0x3f: {  	[tilespmem:s9], [sflag:$0x7] =	stream.linear.gather [hbm4b:s11+s9], $0x100, $0x38;
	[tilespmem:$0x17F00] =	vst v63  }
0x40: {  	_ =	swait.ge [sflag:s17], $0x100  }
0x41: {  	[sflag:s17] =	ssyncset.done $0x0  }
0x42: {  	[sflag:s17] =	ssyncadd.s32 $0xFFFFFF00  }
0x43: {  	[tilespmem:s19], [sflag:$0x1] =	stream.indirect.gather [hbm4b:s4+s18], $0x40, s9, s18, $0xb8;
	[tilespmem:$0x17F00] =	vst v63  }
0x44: {  	_ =	swait.ge [sflag:s26], $0x2000  }
0x45: {  	[sflag:s26] =	ssyncset.done $0x0  }
0x46: {  	[sflag:s26] =	ssyncadd.s32 $0xFFFFE000  }
0x47: {  	[spmem:s1] =	stream.indirect.scatter.add.bf16 [tilespmem:s21], [sflag:$0x5], $0x40, s28, s18, $0xb8;
	[tilespmem:$0x17F00] =	vst v63  }
0x48: {  	_ =	swait.ge [sflag:s29], $0x2000  }
0x49: {  	[sflag:s29] =	ssyncset.done $0x0  }
0x4a: {  	[sflag:s29] =	ssyncadd.s32 $0xFFFFE000  }
0x4b: {  	[tilespmem:s20], [sflag:$0x7] =	stream.linear.gather [hbm4b:s12+s9], $0x100, $0x38;
	[tilespmem:$0x17F00] =	vst v63  }
0x4c: {  	_ =	swait.ge [sflag:s17], $0x100  }
0x4d: {  	[sflag:s17] =	ssyncset.done $0x0  }
0x4e: {  	[sflag:s17] =	ssyncadd.s32 $0xFFFFFF00  }
0x4f: {  	[tilespmem:s21], [sflag:$0x2] =	stream.indirect.gather [hbm4b:s4+s18], $0x40, s20, s18, $0xb8;
	[tilespmem:$0x17F00] =	vst v63  }
0x50: {  	_ =	swait.ge [sflag:s30], $0x2000  }
0x51: {  	[sflag:s30] =	ssyncset.done $0x0  }
0x52: {  	[sflag:s30] =	ssyncadd.s32 $0xFFFFE000  }
0x53: {  	[spmem:s1] =	stream.indirect.scatter.add.bf16 [tilespmem:s23], [sflag:$0x6], $0x40, s31, s18, $0xb8;
	[tilespmem:$0x17F00] =	vst v63  }
0x54: {  	_ =	swait.ge [sflag:s0], $0x2000  }
0x55: {  	[sflag:s0] =	ssyncset.done $0x0  }
0x56: {  	s9 =	sadd.s32 $0x0, s15;
	[sflag:s0] =	ssyncadd.s32 $0xFFFFE000  }
0x57: {  	[tilespmem:s22], [sflag:$0x7] =	stream.linear.gather [hbm4b:s9+s3], $0x100, $0x38;
	[tilespmem:$0x17F00] =	vst v63  }
0x58: {  	_ =	swait.ge [sflag:s17], $0x100  }
0x59: {  	[sflag:s17] =	ssyncset.done $0x0  }
0x5a: {  	[sflag:s17] =	ssyncadd.s32 $0xFFFFFF00  }
0x5b: {  	[tilespmem:s23], [sflag:$0x3] =	stream.indirect.gather [hbm4b:s4+s18], $0x40, s22, s18, $0xb8;
	[tilespmem:$0x17F00] =	vst v63  }
0x5c: {  	_ =	swait.ge [sflag:s24], $0x2000  }
0x5d: {  	[sflag:s24] =	ssyncset.done $0x0  }
0x5e: {  	[sflag:s24] =	ssyncadd.s32 $0xFFFFE000  }
0x5f: {  	[spmem:s1] =	stream.indirect.scatter.add.bf16 [tilespmem:s19], [sflag:$0x4], $0x40, s18, s18, $0xb8;
	[tilespmem:$0x17F00] =	vst v63  }
0x60: {  	_ =	swait.ge [sflag:s25], $0x2000  }
0x61: {  	[sflag:s25] =	ssyncset.done $0x0  }
0x62: {  	s8 =	sadd.s32 $0x0, s14;
	[sflag:s25] =	ssyncadd.s32 $0xFFFFE000  }
0x63: {  	[tilespmem:s3], [sflag:$0x7] =	stream.linear.gather [hbm4b:s8+s3], $0x100, $0x38;
	[tilespmem:$0x17F00] =	vst v63  }
0x64: {  	_ =	swait.ge [sflag:s17], $0x100  }
0x65: {  	[sflag:s17] =	ssyncset.done $0x0  }
0x66: {  	[sflag:s17] =	ssyncadd.s32 $0xFFFFFF00  }
0x67: {  	[tilespmem:s19], [sflag:$0x1] =	stream.indirect.gather [hbm4b:s4+s18], $0x40, s3, s18, $0xb8;
	[tilespmem:$0x17F00] =	vst v63  }
0x68: {  	_ =	swait.ge [sflag:s26], $0x2000  }
0x69: {  	[sflag:s26] =	ssyncset.done $0x0  }
0x6a: {  	[sflag:s26] =	ssyncadd.s32 $0xFFFFE000  }
0x6b: {  	[spmem:s1] =	stream.indirect.scatter.add.bf16 [tilespmem:s21], [sflag:$0x5], $0x40, s28, s18, $0xb8;
	[tilespmem:$0x17F00] =	vst v63  }
0x6c: {  	_ =	swait.ge [sflag:s29], $0x2000  }
0x6d: {  	[sflag:s29] =	ssyncset.done $0x0  }
0x6e: {  	s9 =	sadd.s32 $0x0, s13;
	[sflag:s29] =	ssyncadd.s32 $0xFFFFE000  }
0x6f: {  	[tilespmem:s20], [sflag:$0x7] =	stream.linear.gather [hbm4b:s9+s3], $0x100, $0x38;
	[tilespmem:$0x17F00] =	vst v63  }
0x70: {  	_ =	swait.ge [sflag:s17], $0x100  }
0x71: {  	[sflag:s17] =	ssyncset.done $0x0  }
0x72: {  	[sflag:s17] =	ssyncadd.s32 $0xFFFFFF00  }
0x73: {  	[tilespmem:s21], [sflag:$0x2] =	stream.indirect.gather [hbm4b:s4+s18], $0x40, s20, s18, $0xb8;
	[tilespmem:$0x17F00] =	vst v63  }
0x74: {  	_ =	swait.ge [sflag:s30], $0x2000  }
0x75: {  	[sflag:s30] =	ssyncset.done $0x0  }
0x76: {  	s7 =	simm.s32 $0x60;
	[sflag:s30] =	ssyncadd.s32 $0xFFFFE000  }
.LBB2_4:
0x77: {  	[spmem:s1] =	stream.indirect.scatter.add.bf16 [tilespmem:s23], [sflag:$0x6], $0x40, s31, s18, $0xb8;
	[tilespmem:$0x17F00] =	vst v63  }
0x78: {  	s8 =	smov.u32 s7  }
0x79: {  	p0 =	sne.s32 s7, $0x600;
	s7 =	sadd.s32 $0x60, s7;
	_ =	swait.ge [sflag:s0], $0x2000  }
0x7a: {  	[sflag:s0] =	ssyncset.done $0x0  }
0x7b: {  	s9 =	sadd.s32 s8, s15;
	[sflag:s0] =	ssyncadd.s32 $0xFFFFE000  }
0x7c: {  	[tilespmem:s22], [sflag:$0x7] =	stream.linear.gather [hbm4b:s9+s3], $0x100, $0x38;
	[tilespmem:$0x17F00] =	vst v63  }
0x7d: {  	_ =	swait.ge [sflag:s17], $0x100  }
0x7e: {  	[sflag:s17] =	ssyncset.done $0x0  }
0x7f: {  	[sflag:s17] =	ssyncadd.s32 $0xFFFFFF00  }
0x80: {  	[tilespmem:s23], [sflag:$0x3] =	stream.indirect.gather [hbm4b:s4+s18], $0x40, s22, s18, $0xb8;
	[tilespmem:$0x17F00] =	vst v63  }
0x81: {  	_ =	swait.ge [sflag:s24], $0x2000  }
0x82: {  	[sflag:s24] =	ssyncset.done $0x0  }
0x83: {  	[sflag:s24] =	ssyncadd.s32 $0xFFFFE000  }
0x84: {  	[spmem:s1] =	stream.indirect.scatter.add.bf16 [tilespmem:s19], [sflag:$0x4], $0x40, s18, s18, $0xb8;
	[tilespmem:$0x17F00] =	vst v63  }
0x85: {  	_ =	swait.ge [sflag:s25], $0x2000  }
0x86: {  	[sflag:s25] =	ssyncset.done $0x0  }
0x87: {  	s9 =	sadd.s32 s8, s14;
	[sflag:s25] =	ssyncadd.s32 $0xFFFFE000  }
0x88: {  	[tilespmem:s3], [sflag:$0x7] =	stream.linear.gather [hbm4b:s9+s3], $0x100, $0x38;
	[tilespmem:$0x17F00] =	vst v63  }
0x89: {  	_ =	swait.ge [sflag:s17], $0x100  }
0x8a: {  	[sflag:s17] =	ssyncset.done $0x0  }
0x8b: {  	[sflag:s17] =	ssyncadd.s32 $0xFFFFFF00  }
0x8c: {  	[tilespmem:s19], [sflag:$0x1] =	stream.indirect.gather [hbm4b:s4+s18], $0x40, s3, s18, $0xb8;
	[tilespmem:$0x17F00] =	vst v63  }
0x8d: {  	_ =	swait.ge [sflag:s26], $0x2000  }
0x8e: {  	[sflag:s26] =	ssyncset.done $0x0  }
0x8f: {  	[sflag:s26] =	ssyncadd.s32 $0xFFFFE000  }
0x90: {  	[spmem:s1] =	stream.indirect.scatter.add.bf16 [tilespmem:s21], [sflag:$0x5], $0x40, s28, s18, $0xb8;
	[tilespmem:$0x17F00] =	vst v63  }
0x91: {  	_ =	swait.ge [sflag:s29], $0x2000  }
0x92: {  	[sflag:s29] =	ssyncset.done $0x0  }
0x93: {  	s8 =	sadd.s32 s8, s13;
	[sflag:s29] =	ssyncadd.s32 $0xFFFFE000  }
0x94: {  	[tilespmem:s20], [sflag:$0x7] =	stream.linear.gather [hbm4b:s8+s3], $0x100, $0x38;
	[tilespmem:$0x17F00] =	vst v63  }
0x95: {  	_ =	swait.ge [sflag:s17], $0x100  }
0x96: {  	[sflag:s17] =	ssyncset.done $0x0  }
.Ltmp1:
0x97: {  	[sflag:s17] =	ssyncadd.s32 $0xFFFFFF00;
	(pc) =	sbr.rel @p0 .LBB2_4-.Ltmp1, $4  }
0x98: {  	[tilespmem:s21], [sflag:$0x2] =	stream.indirect.gather [hbm4b:s4+s18], $0x40, s20, s18, $0xb8;
	[tilespmem:$0x17F00] =	vst v63  }
0x99: {  	_ =	swait.ge [sflag:s30], $0x2000  }
0x9a: {  	[sflag:s30] =	ssyncset.done $0x0  }
0x9b: {  	[sflag:s30] =	ssyncadd.s32 $0xFFFFE000  }
0x9c: {  	[spmem:s1] =	stream.indirect.scatter.add.bf16 [tilespmem:s23], [sflag:$0x6], $0x40, s31, s18, $0xb8;
	[tilespmem:$0x17F00] =	vst v63  }
0x9d: {  	_ =	swait.ge [sflag:s0], $0x2000  }
0x9e: {  	[sflag:s0] =	ssyncset.done $0x0  }
0x9f: {  	[sflag:s0] =	ssyncadd.s32 $0xFFFFE000  }
0xa0: {  	_ =	swait.ge [sflag:s24], $0x2000  }
0xa1: {  	[sflag:s24] =	ssyncset.done $0x0  }
0xa2: {  	[sflag:s24] =	ssyncadd.s32 $0xFFFFE000  }
0xa3: {  	_ =	swait.ge [sflag:s26], $0x2000  }
0xa4: {  	[sflag:s26] =	ssyncset.done $0x0  }
0xa5: {  	[sflag:s26] =	ssyncadd.s32 $0xFFFFE000  }
0xa6: {  	[bflag:$0x0] =	sbarrier.arrive $0xFFFF  }
0xa7: {  	[tilespmem:s16], [sflag:$0x7] =	stream.linear.gather [spmem:s5], $0x8E00, $0x38;
	[tilespmem:$0x17F00] =	vst v63  }
0xa8: {  	_ =	swait.ge [sflag:s17], $0x8E00  }
0xa9: {  	[sflag:s17] =	ssyncset.done $0x0  }
0xaa: {  	s7 =	rddreg [dreg:$0x5];
	[sflag:s17] =	ssyncadd.s32 $0xFFFF7200  }
0xab: {  	[hbm4b:s7+s3] =	stream.linear.scatter [tilespmem:s16], [sflag:$0x7], $0x8E00, $0x38;
	[tilespmem:$0x17F00] =	vst v63  }
0xac: {  	_ =	swait.ge [sflag:s17], $0x8E00  }
0xad: {  	s2 =	sadd.s32 $0x1, s2;
	s9 =	rddreg [dreg:$0x6]  }
0xae: {  	p0 =	sne.s32 s2, s9  }
.Ltmp2:
0xaf: {  	_ = 	snop;
	(pc) =	sbr.rel @p0 .LBB2_1-.Ltmp2, $3  }
0xb0: {  	_ =	sdelay $0x1  }
0xb1: {  	[sflag:s17] =	ssyncset.done $0x0  }
0xb2: {  	[sflag:s17] =	ssyncadd.s32 $0xFFFF7200  }
0xb3: {  	_ =	sfence.sel $0x180000  }
0xb4: {  	[bflag:$0x0] =	sbarrier.arrive $0xFFFF  }
0xb5: {  	_ =	strace $0x9000004A  }
0xb6: {  	s0 =	stileid.u32;
	[bflag:$0x2] =	sbarrier.arrive $0xFFFF  }
0xb7: {  	p0 =	sne.s32 s0, $0x0;
	s0 =	rddreg [dreg:$0x3]  }
0xb8: {  	s0 =	sadd.s32 @!p0 $0x100000, s0  }
0xb9: {  	[sflag:s0] =	ssyncadd.tile.s32 @!p0 $0x1;
	_ =	shalt  }
.Lfunc_end2:
_tile_overlayer_lowered:
.L_overlay_start_2:
0xba: {  	(tag) =	ssettag $0x2  }
0xbb: {  	s0 =	rddreg [dreg:$0x0];
	s2 =	stileid.u32  }
0xbc: {  	s1 =	rddreg [dreg:$0x1];
	p0 =	sne.s32 s2, $0x0  }
0xbd: {  	s3 =	rddreg [dreg:$0x2];
	[bflag:$0x3] =	sbarrier.arrive $0xFFFF;
	s2 =	simm.s32 @!p0 $0x1C07  }
0xbe: {  	[timem:s3], [sflag:s2] =	dma.local @!p0 [hbm:s0], s1  }
0xbf: {  	s0 =	simm.s32 @!p0 $0x7  }
0xc0: {  	_ =	swait.ge @!p0 [sflag:s0], s1  }
0xc1: {  	s1 =	ssub.s32 @!p0 $0x0, s1;
	[sflag:s0] =	ssyncset.done @!p0 $0x0  }
0xc2: {  	[sflag:s0] =	ssyncadd.s32 @!p0 s1  }
0xc3: {  	[bflag:$0x3] =	sbarrier.arrive $0xFFFF  }
0xc4: {  	_ =	shalt  }

// kernel: kernel.14.cloned.1.call-start
scs
__scs_entry_jumppad:
0x0: {  	(pc) =	sbr.rel $0x88, $3  }
0x1: {  	(tag) =	ssettag $0x0;
	lr =	simm.s32 $0x1  }
0x2: {  	[smem:$0x3F8D] =	sst lr;
	_ =	strace $0xD0000000  }
0x3: {  	_ = 	snop  }
0x4: {  	_ = 	snop  }
0x5: {  	_ = 	snop  }
0x6: {  	_ = 	snop  }
0x7: {  	_ = 	snop  }
__scs_overlays_trampoline_lowered:
0x8: {  	[smem:$0x3F9C] =	sst s0  }
0x9: {  	[smem:$0x3F9D] =	sst s1  }
0xa: {  	[smem:$0x3F9E] =	sst s2  }
0xb: {  	[smem:$0x3F9F] =	sst s3  }
0xc: {  	[smem:$0x3FA0] =	sst s4  }
0xd: {  	[smem:$0x3FA1] =	sst s5  }
0xe: {  	[smem:$0x3FA2] =	sst s6  }
0xf: {  	[smem:$0x3FA3] =	sst s7  }
0x10: {  	[smem:$0x3FA4] =	sst s8  }
0x11: {  	[smem:$0x3FA5] =	sst s9;
	s0 =	simm.s32 @!p0 $0x0  }
0x12: {  	s1 =	sld [smem:$0x3F8B];
	s0 =	simm.s32 @p0 $0x1  }
0x13: {  	[smem:$0x3FA6] =	sst s0;
	s0 =	simm.s32 @!p1 $0x0  }
0x14: {  	s2 =	sld [smem:$0x3F8A];
	s0 =	simm.s32 @p1 $0x1  }
0x15: {  	[smem:$0x3FA7] =	sst s0;
	s0 =	simm.s32 @!p2 $0x0  }
0x16: {  	s3 =	sld [smem:$0x3FDB];
	s0 =	simm.s32 @p2 $0x1  }
0x17: {  	s4 =	simm.s32 $0x1BF5;
	[smem:$0x3FA9] =	sst s0  }
0x18: {  	s0 =	sld [smem:$0x3F8C];
	_ =	swait.ge [sflag:s4], $0x0  }
0x19: {  	s7 =	sld [smem:$0x3F8D]  }
0x1a: {  	s8 =	sadd.s32 $0xFFFFE003, lr  }
0x1b: {  	s9 =	sadd.s32 $0xFFFFFEF7, lr;
	s5 =	simm.s32 $0xFFFFFFFF;
	p2 =	slt.u32 s8, $0xFFFFF086  }
0x1c: {  	p1 =	slt.u32 s9, $0xF7A;
	s5 =	simm.s32 @!p2 $0x0  }
0x1d: {  	s5 =	simm.s32 @p1 $0x1;
	p0 =	seq.s32 s7, s2  }
0x1e: {  	s7 =	smul.u32 @!p0 $0xF7A, s2;
	p2 =	seq.s32 @!p0 s5, $0x0  }
0x1f: {  	s9 =	smul.u32 $0xF7A, s1;
	s8 =	simm.s32 @!p0 $0x1BF5;
	p2 =	por !p2, p0  }
0x20: {  	[sflag:s8] =	ssyncset.s32 @!p0 $0xFFFFF086;
	s6 =	sadd.s32 @!p0 s3, s7;
	s7 =	simm.s32 @!p0 $0x108  }
0x21: {  	s3 =	sadd.s32 s3, s9;
	s6 =	sadd.s32 @!p0 $0x88, s6;
	s7 =	simm.s32 @p2 $0x1082  }
0x22: {  	[simem:s7], [sflag:s8] =	dma.local @!p0 [hbm:s6], $0xF7A  }
0x23: {  	s9 =	sor.u32 $0xD0000000, s2;
	s6 =	simm.s32 $0x108;
	_ =	swait.ge @!p0 [sflag:s8], $0x0  }
0x24: {  	s3 =	sadd.s32 $0x88, s3;
	s6 =	simm.s32 @!p1 $0x1082;
	[sflag:s4] =	ssyncset.s32 $0xFFFFF086  }
0x25: {  	[simem:s6], [sflag:s4] =	dma.local [hbm:s3], $0xF7A  }
0x26: {  	[smem:$0x3F8D] =	sst s1;
	(tag) =	ssettag s2;
	_ =	strace s9  }
0x27: {  	s1 =	sld [smem:$0x3F9D]  }
0x28: {  	s2 =	sld [smem:$0x3F9E]  }
0x29: {  	s4 =	sld [smem:$0x3FA0]  }
0x2a: {  	p0 =	seq.s32 s5, $0x0;
	s5 =	sld [smem:$0x3FA1]  }
0x2b: {  	s6 =	sld [smem:$0x3FA2]  }
0x2c: {  	s7 =	sld [smem:$0x3FA3]  }
0x2d: {  	s3 =	simm.s32 $0x108;
	s8 =	sld [smem:$0x3FA4]  }
0x2e: {  	s3 =	simm.s32 @!p0 $0x1082;
	s9 =	sld [smem:$0x3FA5]  }
0x2f: {  	lr =	sadd.s32 s0, s3;
	s0 =	sld [smem:$0x3F9C]  }
0x30: {  	s3 =	sld [smem:$0x3F9F]  }
0x31: {  	[smem:$0x3FA8] =	sst s10  }
0x32: {  	s10 =	sld [smem:$0x3FA6];
	_ =	sdelay $0x3  }
0x33: {  	p0 =	seq.s32 s10, $0x1;
	s10 =	sld [smem:$0x3FA8];
	_ =	sdelay $0x3  }
0x34: {  	[smem:$0x3FA8] =	sst s10  }
0x35: {  	s10 =	sld [smem:$0x3FA7];
	_ =	sdelay $0x3  }
0x36: {  	p1 =	seq.s32 s10, $0x1;
	s10 =	sld [smem:$0x3FA8];
	_ =	sdelay $0x3  }
0x37: {  	[smem:$0x3FA8] =	sst s10  }
0x38: {  	s10 =	sld [smem:$0x3FA9]  }
0x39: {  	_ = 	snop;
	(pc) =	sbr.ind lr, $3  }
0x3a: {  	_ = 	snop  }
0x3b: {  	_ = 	snop  }
0x3c: {  	p2 =	seq.s32 s10, $0x1;
	s10 =	sld [smem:$0x3FA8]  }
0x3d: {  	_ =	shalt  }
0x3e: {  	_ =	shalt  }
0x3f: {  	_ =	shalt  }
0x40: {  	_ =	shalt  }
0x41: {  	_ =	shalt  }
0x42: {  	_ =	shalt  }
0x43: {  	_ =	shalt  }
0x44: {  	_ =	shalt  }
0x45: {  	_ =	shalt  }
0x46: {  	_ =	shalt  }
0x47: {  	_ =	shalt  }
0x48: {  	_ =	shalt  }
0x49: {  	_ =	shalt  }
0x4a: {  	_ =	shalt  }
0x4b: {  	_ =	shalt  }
0x4c: {  	_ =	shalt  }
0x4d: {  	_ =	shalt  }
0x4e: {  	_ =	shalt  }
0x4f: {  	_ =	shalt  }
0x50: {  	_ =	shalt  }
0x51: {  	_ =	shalt  }
0x52: {  	_ =	shalt  }
0x53: {  	_ =	shalt  }
0x54: {  	_ =	shalt  }
0x55: {  	_ =	shalt  }
0x56: {  	_ =	shalt  }
0x57: {  	_ =	shalt  }
0x58: {  	_ =	shalt  }
0x59: {  	_ =	shalt  }
0x5a: {  	_ =	shalt  }
0x5b: {  	_ =	shalt  }
0x5c: {  	_ =	shalt  }
0x5d: {  	_ =	shalt  }
0x5e: {  	_ =	shalt  }
0x5f: {  	_ =	shalt  }
0x60: {  	_ =	shalt  }
0x61: {  	_ =	shalt  }
0x62: {  	_ =	shalt  }
0x63: {  	_ =	shalt  }
0x64: {  	_ =	shalt  }
0x65: {  	_ =	shalt  }
0x66: {  	_ =	shalt  }
0x67: {  	_ =	shalt  }
0x68: {  	_ =	shalt  }
0x69: {  	_ =	shalt  }
0x6a: {  	_ =	shalt  }
0x6b: {  	_ =	shalt  }
0x6c: {  	_ =	shalt  }
0x6d: {  	_ =	shalt  }
0x6e: {  	_ =	shalt  }
0x6f: {  	_ =	shalt  }
0x70: {  	_ =	shalt  }
0x71: {  	_ =	shalt  }
0x72: {  	_ =	shalt  }
0x73: {  	_ =	shalt  }
0x74: {  	_ =	shalt  }
0x75: {  	_ =	shalt  }
0x76: {  	_ =	shalt  }
0x77: {  	_ =	shalt  }
0x78: {  	_ =	shalt  }
0x79: {  	_ =	shalt  }
0x7a: {  	_ =	shalt  }
0x7b: {  	_ =	shalt  }
0x7c: {  	_ =	shalt  }
0x7d: {  	_ =	shalt  }
0x7e: {  	_ =	shalt  }
0x7f: {  	_ =	shalt  }
0x80: {  	_ =	shalt  }
0x81: {  	_ =	shalt  }
0x82: {  	_ =	shalt  }
0x83: {  	_ =	shalt  }
0x84: {  	_ =	shalt  }
0x85: {  	_ =	shalt  }
0x86: {  	_ =	shalt  }
0x87: {  	_ =	shalt  }
.Lfunc_end0:
.L_simem_size_0:
called_computation.2_lowered:
.L_overlay_start_0:
0x88: {  	s2 =	sld [smem:$0x3FD9]  }
0x89: {  	s3 =	sld [smem:$0x3FFE];
	_ =	sdelay $0x1  }
0x8a: {  	s1 =	srdreg.scid  }
0x8b: {  	s0 =	sand.u32 $0x1, s1  }
0x8c: {  	s17 =	sshll.u32 s0, $0xA;
	s2 =	sadd.s32 s3, s2  }
0x8d: {  	s2 =	sadd.s32 s2, s17  }
0x8e: {  	[smem:$0x3FB4] =	sst s2  }
0x8f: {  	_ = 	snop  }
0x90: {  	s2 =	sld [smem:$0x3FD0];
	(tm) =	ssettm $0x1  }
0x91: {  	s18 =	sld [smem:$0x3FFB];
	_ =	sdelay $0x3  }
0x92: {  	_ =	strace s18  }
0x93: {  	s3 =	sld [smem:$0x3FFC];
	_ =	sdelay $0x3  }
0x94: {  	_ =	strace s3  }
0x95: {  	s3 =	sld [smem:$0x3FFD];
	_ =	sdelay $0x3  }
0x96: {  	_ =	strace s3  }
0x97: {  	_ =	strace $0x8FFFFFFF  }
0x98: {  	s19 =	sld [smem:$0x3FDB];
	_ =	sdelay $0x1  }
0x99: {  	s4 =	simm.s32 $_scs_section_size  }
0x9a: {  	s5 =	simm.s32 $_size__tile_overlayer_lowered;
	s6 =	simm.s32 $_tile_overlayer_lowered  }
0x9b: {  	s22 =	simm.s32 $0x1BFF;
	s21 =	sshll.u32 s6, $0x1;
	s3 =	sadd.s32 s4, s19  }
0x9c: {  	s7 =	simm.s32 $0x0;
	s20 =	sshll.u32 s5, $0x1;
	s5 =	sadd.s32 s21, s3  }
0x9d: {  	[timem:s7], [sflag:s22] =	dma.local [hbm:s5], s20  }
0x9e: {  	_ =	swait.ge [sflag:s22], s20  }
0x9f: {  	s4 =	ssub.s32 $0x0, s20;
	[sflag:s22] =	ssyncset.done $0x0  }
0xa0: {  	[sflag:s22] =	ssyncadd.s32 s4;
	_ =	sdelay $0x1  }
0xa1: {  	s23 =	simm.s32 $0x1B8B  }
0xa2: {  	_ =	swait.ge [sflag:s23], $0x1  }
0xa3: {  	[sflag:s23] =	ssyncset.done $0x0  }
0xa4: {  	s25 =	simm.s32 $0x1B8E;
	s24 =	sld [smem:$0x3FFE];
	[sflag:s23] =	ssyncadd.s32 $0xFFFFFFFF  }
0xa5: {  	s26 =	simm.s32 $execute0_lowered;
	[smem:$0x3FD2] =	sst s25  }
0xa6: {  	s5 =	sshll.u32 s26, $0x1;
	_ =	strace $0x8000004C;
	[dreg:$0x1] =	wrdreg $0xFFFFFFFF  }
0xa7: {  	s28 =	simm.s32 $_size_execute0_lowered;
	s3 =	sadd.s32 s3, s5;
	[dreg:$0x0] =	wrdreg $0x0  }
0xa8: {  	s5 =	sshll.u32 s28, $0x1;
	[dreg:$0x2] =	wrdreg s3  }
0xa9: {  	[dreg:$0x3] =	wrdreg s5  }
0xaa: {  	[dreg:$0x4] =	wrdreg $0xC0  }
0xab: {  	_ =	task [dreg:s7], $0x5FFFF  }
0xac: {  	[dreg:$0x1] =	wrdreg $0xFFFFFFFF  }
0xad: {  	[dreg:$0x0] =	wrdreg $0x60  }
0xae: {  	[dreg:$0x2] =	wrdreg s24  }
0xaf: {  	[dreg:$0x3] =	wrdreg s2  }
0xb0: {  	[dreg:$0x4] =	wrdreg $0xF1000  }
0xb1: {  	[dreg:$0x5] =	wrdreg $0x9  }
0xb2: {  	_ =	task.clear_ibuf [dreg:s7], $0x6FFFF;
	_ =	strace $0x9000004C  }
0xb3: {  	s29 =	simm.s32 $0x9;
	_ =	strace $0x8000004E  }
0xb4: {  	_ =	swait.ge [sflag:s29], $0x1  }
0xb5: {  	[sflag:s29] =	ssyncadd.s32 $0xFFFFFFFF  }
0xb6: {  	_ =	strace $0x9000004E  }
0xb7: {  	_ =	sfence  }
0xb8: {  	s30 =	sld [smem:$0x0];
	_ =	sdelay $0x2  }
0xb9: {  	s31 =	sshll.u32 s1, $0xD;
	s1 =	sshrl.u32 s1, $0x2  }
0xba: {  	s3 =	sand.u32 $0x4000, s31;
	s1 =	sadd.s32 s1, s30  }
0xbb: {  	s0 =	sor.u32 s3, s0;
	s1 =	sshll.u32 s1, $0x11  }
0xbc: {  	s0 =	sor.u32 s1, s0  }
0xbd: {  	s0 =	sadd.s32 $0x8F2B, s0  }
0xbe: {  	[sflag:s0] =	ssyncadd.remote.s32 $0x1  }
0xbf: {  	_ =	sfence.sel $0xFFFF  }
0xc0: {  	[dreg:$0x0] =	wrdreg $0xFFFFFFFF;
	(pc) =	sbr.abs _section_cstart, $3  }
0xc1: {  	[dreg:$0x1] =	wrdreg $0xFFFFFFFF  }
0xc2: {  	_ =	task.clear_ibuf [dreg:s7], $0x2FFFF;
	_ =	strace $0x9FFFFFFF  }
0xc3: {  	(tm) =	ssettm $0x7FFFFFFF  }
tec
execute0_lowered:
.L_overlay_start_1:
0x0: {  	(tag) =	ssettag $0x1  }
0x1: {  	s0 =	rddreg [dreg:$0x0]  }
0x2: {  	s2 =	rddreg [dreg:$0x1]  }
0x3: {  	s1 =	rddreg [dreg:$0x2]  }
0x4: {  	s3 =	simm.s32 $0x0;
	s4 =	srdreg.scid;
	s11 =	stileid.u32  }
0x5: {  	s16 =	simm.s32 $0x6300;
	s17 =	simm.s32 $0x7;
	s8 =	smul.u32 $0x1B00, s11  }
0x6: {  	s28 =	simm.s32 $0x180;
	s29 =	simm.s32 $0x5;
	s10 =	smul.u32 $0x23800, s11  }
0x7: {  	s30 =	simm.s32 $0x3;
	s31 =	simm.s32 $0x280;
	s18 =	smul.u32 $0x11C0, s11  }
0x8: {  	[smem:$0x7FF] =	sst s3;
	s6 =	sand.u32 $0x1, s4;
	s13 =	smul.u32 $0x3600, s11  }
0x9: {  	s4 =	sadd.s32 $0x16200, s0;
	s0 =	sadd.s32 $0x8800, s0;
	s5 =	smul.u32 $0x1B000, s6  }
0xa: {  	_ =	strace $0x8000004D;
	s7 =	ssub.s32 $0x2, s6;
	s20 =	smul.u32 $0x11C00, s6  }
0xb: {  	s12 =	smul.u32 $0x36000, s6;
	s9 =	sshrl.u32 s7, $0x1;
	s19 =	sshrl.u32 s10, $0x2  }
0xc: {  	s7 =	ssub.s32 s7, s9;
	s8 =	sadd.s32 s8, s5;
	s5 =	sadd.s32 s19, s1  }
0xd: {  	s21 =	sadd.s32 s18, s20;
	s24 =	sadd.s32 s13, s12;
	s18 =	simm.s32 $0x80  }
0xe: {  	s19 =	simm.s32 $0x300;
	s20 =	simm.s32 $0x100;
	s8 =	sshrl.u32 s8, $0x2  }
0xf: {  	s2 =	sadd.s32 s2, s21;
	s23 =	smax.u32 s7, $0x1;
	s25 =	sadd.s32 $0x700, s24  }
0x10: {  	s26 =	sadd.s32 $0x600, s24;
	s21 =	simm.s32 $0x2300;
	[dreg:$0x5] =	wrdreg s2  }
0x11: {  	s6 =	sadd.s32 s0, s8;
	[dreg:$0x6] =	wrdreg s23;
	s7 =	sshrl.u32 s25, $0x3  }
0x12: {  	s8 =	sshrl.u32 s26, $0x3;
	s2 =	sadd.s32 $0x500, s24;
	s23 =	simm.s32 $0x4300  }
0x13: {  	s24 =	simm.s32 $0x1;
	s25 =	simm.s32 $0x4;
	s26 =	simm.s32 $0x2  }
0x14: {  	s22 =	sadd.s32 $0x20, s6;
	s10 =	sadd.s32 $0x40, s6;
	s11 =	sadd.s32 $0x60, s6  }
0x15: {  	s12 =	sadd.s32 $0x80, s6;
	s13 =	sadd.s32 s7, s0;
	s2 =	sshrl.u32 s2, $0x3  }
0x16: {  	s14 =	sadd.s32 s8, s0;
	[dreg:$0x4] =	wrdreg s22;
	s15 =	sadd.s32 s2, s0  }
0x17: {  	v0 =	vimm.bf16 $0.0e+00;
	s22 =	simm.s32 $0x200;
	s0 =	simm.s32 $0x6;
	s2 =	simm.s32 $0x0  }
.LBB2_1:
0x18: {  	s8 =	simm.s32 $0x100;
	s7 =	simm.s32 $0x0  }
.LBB2_2:
0x19: {  	p0 =	sne.s32 s8, $0x23700;
	[tilespmem:s7+$0x6330] =	vst v0;
	s9 =	smov.u32 s8;
	s8 =	sadd.s32 $0x100, s8  }
.Ltmp0:
0x1a: {  	[tilespmem:s7+$0x6320] =	vst v0;
	(pc) =	sbr.rel @p0 .LBB2_2-.Ltmp0, $3  }
0x1b: {  	[tilespmem:s7+$0x6300] =	vst v0  }
0x1c: {  	[tilespmem:s7+$0x6310] =	vst v0;
	_ =	sdelay $0x1  }
0x1d: {  	s7 =	sshra.s32 s9, $0x2  }
0x1e: {  	[tilespmem:s7+$0x6330] =	vst v0  }
0x1f: {  	[tilespmem:s7+$0x6320] =	vst v0  }
0x20: {  	[tilespmem:s7+$0x6300] =	vst v0  }
0x21: {  	[tilespmem:s7+$0x6310] =	vst v0  }
0x22: {  	[spmem:s5] =	stream.linear.scatter [tilespmem:s16], [sflag:$0x7], $0x8E00, $0x38;
	[tilespmem:$0x17F00] =	vst v63  }
0x23: {  	_ =	swait.ge [sflag:s17], $0x8E00  }
0x24: {  	[sflag:s17] =	ssyncset.done $0x0  }
0x25: {  	[sflag:s17] =	ssyncadd.s32 $0xFFFF7200  }
0x26: {  	s9 =	simm.s32 $0x0;
	[bflag:$0x0] =	sbarrier.arrive $0xFFFF  }
0x27: {  	[tilespmem:s9], [sflag:$0x7] =	stream.linear.gather [hbm4b:s6+s9], $0x100, $0x38;
	[tilespmem:$0x17F00] =	vst v63  }
0x28: {  	_ =	swait.ge [sflag:s17], $0x100  }
0x29: {  	[sflag:s17] =	ssyncset.done $0x0  }
0x2a: {  	[sflag:s17] =	ssyncadd.s32 $0xFFFFFF00  }
0x2b: {  	[tilespmem:s19], [sflag:$0x1] =	stream.indirect.gather [hbm4b:s4+s18], $0x40, s9, s18, $0xb8;
	[tilespmem:$0x17F00] =	vst v63  }
0x2c: {  	s8 =	rddreg [dreg:$0x4]  }
0x2d: {  	[tilespmem:s20], [sflag:$0x7] =	stream.linear.gather [hbm4b:s8+s9], $0x100, $0x38;
	[tilespmem:$0x17F00] =	vst v63  }
0x2e: {  	_ =	swait.ge [sflag:s17], $0x100  }
0x2f: {  	[sflag:s17] =	ssyncset.done $0x0  }
0x30: {  	[sflag:s17] =	ssyncadd.s32 $0xFFFFFF00  }
0x31: {  	[tilespmem:s21], [sflag:$0x2] =	stream.indirect.gather [hbm4b:s4+s18], $0x40, s20, s18, $0xb8;
	[tilespmem:$0x17F00] =	vst v63  }
0x32: {  	_ = 	snop  }
0x33: {  	[tilespmem:s22], [sflag:$0x7] =	stream.linear.gather [hbm4b:s10+s9], $0x100, $0x38;
	[tilespmem:$0x17F00] =	vst v63  }
0x34: {  	_ =	swait.ge [sflag:s17], $0x100  }
0x35: {  	[sflag:s17] =	ssyncset.done $0x0  }
0x36: {  	[sflag:s17] =	ssyncadd.s32 $0xFFFFFF00  }
0x37: {  	[tilespmem:s23], [sflag:$0x3] =	stream.indirect.gather [hbm4b:s4+s18], $0x40, s22, s18, $0xb8;
	[tilespmem:$0x17F00] =	vst v63  }
0x38: {  	_ =	swait.ge [sflag:s24], $0x2000  }
0x39: {  	[sflag:s24] =	ssyncset.done $0x0  }
0x3a: {  	[sflag:s24] =	ssyncadd.s32 $0xFFFFE000  }
0x3b: {  	[spmem:s1] =	stream.indirect.scatter.add.bf16 [tilespmem:s19], [sflag:$0x4], $0x40, s18, s18, $0xb8;
	[tilespmem:$0x17F00] =	vst v63  }
0x3c: {  	_ =	swait.ge [sflag:s25], $0x2000  }
0x3d: {  	[sflag:s25] =	ssyncset.done $0x0  }
0x3e: {  	[sflag:s25] =	ssyncadd.s32 $0xFFFFE000  }
0x3f: {  	[tilespmem:s9], [sflag:$0x7] =	stream.linear.gather [hbm4b:s11+s9], $0x100, $0x38;
	[tilespmem:$0x17F00] =	vst v63  }
0x40: {  	_ =	swait.ge [sflag:s17], $0x100  }
0x41: {  	[sflag:s17] =	ssyncset.done $0x0  }
0x42: {  	[sflag:s17] =	ssyncadd.s32 $0xFFFFFF00  }
0x43: {  	[tilespmem:s19], [sflag:$0x1] =	stream.indirect.gather [hbm4b:s4+s18], $0x40, s9, s18, $0xb8;
	[tilespmem:$0x17F00] =	vst v63  }
0x44: {  	_ =	swait.ge [sflag:s26], $0x2000  }
0x45: {  	[sflag:s26] =	ssyncset.done $0x0  }
0x46: {  	[sflag:s26] =	ssyncadd.s32 $0xFFFFE000  }
0x47: {  	[spmem:s1] =	stream.indirect.scatter.add.bf16 [tilespmem:s21], [sflag:$0x5], $0x40, s28, s18, $0xb8;
	[tilespmem:$0x17F00] =	vst v63  }
0x48: {  	_ =	swait.ge [sflag:s29], $0x2000  }
0x49: {  	[sflag:s29] =	ssyncset.done $0x0  }
0x4a: {  	[sflag:s29] =	ssyncadd.s32 $0xFFFFE000  }
0x4b: {  	[tilespmem:s20], [sflag:$0x7] =	stream.linear.gather [hbm4b:s12+s9], $0x100, $0x38;
	[tilespmem:$0x17F00] =	vst v63  }
0x4c: {  	_ =	swait.ge [sflag:s17], $0x100  }
0x4d: {  	[sflag:s17] =	ssyncset.done $0x0  }
0x4e: {  	[sflag:s17] =	ssyncadd.s32 $0xFFFFFF00  }
0x4f: {  	[tilespmem:s21], [sflag:$0x2] =	stream.indirect.gather [hbm4b:s4+s18], $0x40, s20, s18, $0xb8;
	[tilespmem:$0x17F00] =	vst v63  }
0x50: {  	_ =	swait.ge [sflag:s30], $0x2000  }
0x51: {  	[sflag:s30] =	ssyncset.done $0x0  }
0x52: {  	[sflag:s30] =	ssyncadd.s32 $0xFFFFE000  }
0x53: {  	[spmem:s1] =	stream.indirect.scatter.add.bf16 [tilespmem:s23], [sflag:$0x6], $0x40, s31, s18, $0xb8;
	[tilespmem:$0x17F00] =	vst v63  }
0x54: {  	_ =	swait.ge [sflag:s0], $0x2000  }
0x55: {  	[sflag:s0] =	ssyncset.done $0x0  }
0x56: {  	s9 =	sadd.s32 $0x0, s15;
	[sflag:s0] =	ssyncadd.s32 $0xFFFFE000  }
0x57: {  	[tilespmem:s22], [sflag:$0x7] =	stream.linear.gather [hbm4b:s9+s3], $0x100, $0x38;
	[tilespmem:$0x17F00] =	vst v63  }
0x58: {  	_ =	swait.ge [sflag:s17], $0x100  }
0x59: {  	[sflag:s17] =	ssyncset.done $0x0  }
0x5a: {  	[sflag:s17] =	ssyncadd.s32 $0xFFFFFF00  }
0x5b: {  	[tilespmem:s23], [sflag:$0x3] =	stream.indirect.gather [hbm4b:s4+s18], $0x40, s22, s18, $0xb8;
	[tilespmem:$0x17F00] =	vst v63  }
0x5c: {  	_ =	swait.ge [sflag:s24], $0x2000  }
0x5d: {  	[sflag:s24] =	ssyncset.done $0x0  }
0x5e: {  	[sflag:s24] =	ssyncadd.s32 $0xFFFFE000  }
0x5f: {  	[spmem:s1] =	stream.indirect.scatter.add.bf16 [tilespmem:s19], [sflag:$0x4], $0x40, s18, s18, $0xb8;
	[tilespmem:$0x17F00] =	vst v63  }
0x60: {  	_ =	swait.ge [sflag:s25], $0x2000  }
0x61: {  	[sflag:s25] =	ssyncset.done $0x0  }
0x62: {  	s8 =	sadd.s32 $0x0, s14;
	[sflag:s25] =	ssyncadd.s32 $0xFFFFE000  }
0x63: {  	[tilespmem:s3], [sflag:$0x7] =	stream.linear.gather [hbm4b:s8+s3], $0x100, $0x38;
	[tilespmem:$0x17F00] =	vst v63  }
0x64: {  	_ =	swait.ge [sflag:s17], $0x100  }
0x65: {  	[sflag:s17] =	ssyncset.done $0x0  }
0x66: {  	[sflag:s17] =	ssyncadd.s32 $0xFFFFFF00  }
0x67: {  	[tilespmem:s19], [sflag:$0x1] =	stream.indirect.gather [hbm4b:s4+s18], $0x40, s3, s18, $0xb8;
	[tilespmem:$0x17F00] =	vst v63  }
0x68: {  	_ =	swait.ge [sflag:s26], $0x2000  }
0x69: {  	[sflag:s26] =	ssyncset.done $0x0  }
0x6a: {  	[sflag:s26] =	ssyncadd.s32 $0xFFFFE000  }
0x6b: {  	[spmem:s1] =	stream.indirect.scatter.add.bf16 [tilespmem:s21], [sflag:$0x5], $0x40, s28, s18, $0xb8;
	[tilespmem:$0x17F00] =	vst v63  }
0x6c: {  	_ =	swait.ge [sflag:s29], $0x2000  }
0x6d: {  	[sflag:s29] =	ssyncset.done $0x0  }
0x6e: {  	s9 =	sadd.s32 $0x0, s13;
	[sflag:s29] =	ssyncadd.s32 $0xFFFFE000  }
0x6f: {  	[tilespmem:s20], [sflag:$0x7] =	stream.linear.gather [hbm4b:s9+s3], $0x100, $0x38;
	[tilespmem:$0x17F00] =	vst v63  }
0x70: {  	_ =	swait.ge [sflag:s17], $0x100  }
0x71: {  	[sflag:s17] =	ssyncset.done $0x0  }
0x72: {  	[sflag:s17] =	ssyncadd.s32 $0xFFFFFF00  }
0x73: {  	[tilespmem:s21], [sflag:$0x2] =	stream.indirect.gather [hbm4b:s4+s18], $0x40, s20, s18, $0xb8;
	[tilespmem:$0x17F00] =	vst v63  }
0x74: {  	_ =	swait.ge [sflag:s30], $0x2000  }
0x75: {  	[sflag:s30] =	ssyncset.done $0x0  }
0x76: {  	s7 =	simm.s32 $0x60;
	[sflag:s30] =	ssyncadd.s32 $0xFFFFE000  }
.LBB2_4:
0x77: {  	[spmem:s1] =	stream.indirect.scatter.add.bf16 [tilespmem:s23], [sflag:$0x6], $0x40, s31, s18, $0xb8;
	[tilespmem:$0x17F00] =	vst v63  }
0x78: {  	s8 =	smov.u32 s7  }
0x79: {  	p0 =	sne.s32 s7, $0x600;
	s7 =	sadd.s32 $0x60, s7;
	_ =	swait.ge [sflag:s0], $0x2000  }
0x7a: {  	[sflag:s0] =	ssyncset.done $0x0  }
0x7b: {  	s9 =	sadd.s32 s8, s15;
	[sflag:s0] =	ssyncadd.s32 $0xFFFFE000  }
0x7c: {  	[tilespmem:s22], [sflag:$0x7] =	stream.linear.gather [hbm4b:s9+s3], $0x100, $0x38;
	[tilespmem:$0x17F00] =	vst v63  }
0x7d: {  	_ =	swait.ge [sflag:s17], $0x100  }
0x7e: {  	[sflag:s17] =	ssyncset.done $0x0  }
0x7f: {  	[sflag:s17] =	ssyncadd.s32 $0xFFFFFF00  }
0x80: {  	[tilespmem:s23], [sflag:$0x3] =	stream.indirect.gather [hbm4b:s4+s18], $0x40, s22, s18, $0xb8;
	[tilespmem:$0x17F00] =	vst v63  }
0x81: {  	_ =	swait.ge [sflag:s24], $0x2000  }
0x82: {  	[sflag:s24] =	ssyncset.done $0x0  }
0x83: {  	[sflag:s24] =	ssyncadd.s32 $0xFFFFE000  }
0x84: {  	[spmem:s1] =	stream.indirect.scatter.add.bf16 [tilespmem:s19], [sflag:$0x4], $0x40, s18, s18, $0xb8;
	[tilespmem:$0x17F00] =	vst v63  }
0x85: {  	_ =	swait.ge [sflag:s25], $0x2000  }
0x86: {  	[sflag:s25] =	ssyncset.done $0x0  }
0x87: {  	s9 =	sadd.s32 s8, s14;
	[sflag:s25] =	ssyncadd.s32 $0xFFFFE000  }
0x88: {  	[tilespmem:s3], [sflag:$0x7] =	stream.linear.gather [hbm4b:s9+s3], $0x100, $0x38;
	[tilespmem:$0x17F00] =	vst v63  }
0x89: {  	_ =	swait.ge [sflag:s17], $0x100  }
0x8a: {  	[sflag:s17] =	ssyncset.done $0x0  }
0x8b: {  	[sflag:s17] =	ssyncadd.s32 $0xFFFFFF00  }
0x8c: {  	[tilespmem:s19], [sflag:$0x1] =	stream.indirect.gather [hbm4b:s4+s18], $0x40, s3, s18, $0xb8;
	[tilespmem:$0x17F00] =	vst v63  }
0x8d: {  	_ =	swait.ge [sflag:s26], $0x2000  }
0x8e: {  	[sflag:s26] =	ssyncset.done $0x0  }
0x8f: {  	[sflag:s26] =	ssyncadd.s32 $0xFFFFE000  }
0x90: {  	[spmem:s1] =	stream.indirect.scatter.add.bf16 [tilespmem:s21], [sflag:$0x5], $0x40, s28, s18, $0xb8;
	[tilespmem:$0x17F00] =	vst v63  }
0x91: {  	_ =	swait.ge [sflag:s29], $0x2000  }
0x92: {  	[sflag:s29] =	ssyncset.done $0x0  }
0x93: {  	s8 =	sadd.s32 s8, s13;
	[sflag:s29] =	ssyncadd.s32 $0xFFFFE000  }
0x94: {  	[tilespmem:s20], [sflag:$0x7] =	stream.linear.gather [hbm4b:s8+s3], $0x100, $0x38;
	[tilespmem:$0x17F00] =	vst v63  }
0x95: {  	_ =	swait.ge [sflag:s17], $0x100  }
0x96: {  	[sflag:s17] =	ssyncset.done $0x0  }
.Ltmp1:
0x97: {  	[sflag:s17] =	ssyncadd.s32 $0xFFFFFF00;
	(pc) =	sbr.rel @p0 .LBB2_4-.Ltmp1, $4  }
0x98: {  	[tilespmem:s21], [sflag:$0x2] =	stream.indirect.gather [hbm4b:s4+s18], $0x40, s20, s18, $0xb8;
	[tilespmem:$0x17F00] =	vst v63  }
0x99: {  	_ =	swait.ge [sflag:s30], $0x2000  }
0x9a: {  	[sflag:s30] =	ssyncset.done $0x0  }
0x9b: {  	[sflag:s30] =	ssyncadd.s32 $0xFFFFE000  }
0x9c: {  	[spmem:s1] =	stream.indirect.scatter.add.bf16 [tilespmem:s23], [sflag:$0x6], $0x40, s31, s18, $0xb8;
	[tilespmem:$0x17F00] =	vst v63  }
0x9d: {  	_ =	swait.ge [sflag:s0], $0x2000  }
0x9e: {  	[sflag:s0] =	ssyncset.done $0x0  }
0x9f: {  	[sflag:s0] =	ssyncadd.s32 $0xFFFFE000  }
0xa0: {  	_ =	swait.ge [sflag:s24], $0x2000  }
0xa1: {  	[sflag:s24] =	ssyncset.done $0x0  }
0xa2: {  	[sflag:s24] =	ssyncadd.s32 $0xFFFFE000  }
0xa3: {  	_ =	swait.ge [sflag:s26], $0x2000  }
0xa4: {  	[sflag:s26] =	ssyncset.done $0x0  }
0xa5: {  	[sflag:s26] =	ssyncadd.s32 $0xFFFFE000  }
0xa6: {  	[bflag:$0x0] =	sbarrier.arrive $0xFFFF  }
0xa7: {  	[tilespmem:s16], [sflag:$0x7] =	stream.linear.gather [spmem:s5], $0x8E00, $0x38;
	[tilespmem:$0x17F00] =	vst v63  }
0xa8: {  	_ =	swait.ge [sflag:s17], $0x8E00  }
0xa9: {  	[sflag:s17] =	ssyncset.done $0x0  }
0xaa: {  	s7 =	rddreg [dreg:$0x5];
	[sflag:s17] =	ssyncadd.s32 $0xFFFF7200  }
0xab: {  	[hbm4b:s7+s3] =	stream.linear.scatter [tilespmem:s16], [sflag:$0x7], $0x8E00, $0x38;
	[tilespmem:$0x17F00] =	vst v63  }
0xac: {  	_ =	swait.ge [sflag:s17], $0x8E00  }
0xad: {  	s2 =	sadd.s32 $0x1, s2;
	s9 =	rddreg [dreg:$0x6]  }
0xae: {  	p0 =	sne.s32 s2, s9  }
.Ltmp2:
0xaf: {  	_ = 	snop;
	(pc) =	sbr.rel @p0 .LBB2_1-.Ltmp2, $3  }
0xb0: {  	_ =	sdelay $0x1  }
0xb1: {  	[sflag:s17] =	ssyncset.done $0x0  }
0xb2: {  	[sflag:s17] =	ssyncadd.s32 $0xFFFF7200  }
0xb3: {  	_ =	sfence.sel $0x180000  }
0xb4: {  	[bflag:$0x0] =	sbarrier.arrive $0xFFFF  }
0xb5: {  	_ =	strace $0x9000004D  }
0xb6: {  	s0 =	stileid.u32;
	[bflag:$0x2] =	sbarrier.arrive $0xFFFF  }
0xb7: {  	p0 =	sne.s32 s0, $0x0;
	s0 =	rddreg [dreg:$0x3]  }
0xb8: {  	s0 =	sadd.s32 @!p0 $0x100000, s0  }
0xb9: {  	[sflag:s0] =	ssyncadd.tile.s32 @!p0 $0x1;
	_ =	shalt  }
.Lfunc_end2:
_tile_overlayer_lowered:
.L_overlay_start_2:
0xba: {  	(tag) =	ssettag $0x2  }
0xbb: {  	s0 =	rddreg [dreg:$0x0];
	s2 =	stileid.u32  }
0xbc: {  	s1 =	rddreg [dreg:$0x1];
	p0 =	sne.s32 s2, $0x0  }
0xbd: {  	s3 =	rddreg [dreg:$0x2];
	[bflag:$0x3] =	sbarrier.arrive $0xFFFF;
	s2 =	simm.s32 @!p0 $0x1C07  }
0xbe: {  	[timem:s3], [sflag:s2] =	dma.local @!p0 [hbm:s0], s1  }
0xbf: {  	s0 =	simm.s32 @!p0 $0x7  }
0xc0: {  	_ =	swait.ge @!p0 [sflag:s0], s1  }
0xc1: {  	s1 =	ssub.s32 @!p0 $0x0, s1;
	[sflag:s0] =	ssyncset.done @!p0 $0x0  }
0xc2: {  	[sflag:s0] =	ssyncadd.s32 @!p0 s1  }
0xc3: {  	[bflag:$0x3] =	sbarrier.arrive $0xFFFF  }
0xc4: {  	_ =	shalt  }

// kernel: kernel.8.cloned.1.call-start
scs
__scs_entry_jumppad:
0x0: {  	(pc) =	sbr.rel $0x88, $3  }
0x1: {  	(tag) =	ssettag $0x0;
	lr =	simm.s32 $0x1  }
0x2: {  	[smem:$0x3F8D] =	sst lr;
	_ =	strace $0xD0000000  }
0x3: {  	_ = 	snop  }
0x4: {  	_ = 	snop  }
0x5: {  	_ = 	snop  }
0x6: {  	_ = 	snop  }
0x7: {  	_ = 	snop  }
__scs_overlays_trampoline_lowered:
0x8: {  	[smem:$0x3F9C] =	sst s0  }
0x9: {  	[smem:$0x3F9D] =	sst s1  }
0xa: {  	[smem:$0x3F9E] =	sst s2  }
0xb: {  	[smem:$0x3F9F] =	sst s3  }
0xc: {  	[smem:$0x3FA0] =	sst s4  }
0xd: {  	[smem:$0x3FA1] =	sst s5  }
0xe: {  	[smem:$0x3FA2] =	sst s6  }
0xf: {  	[smem:$0x3FA3] =	sst s7  }
0x10: {  	[smem:$0x3FA4] =	sst s8  }
0x11: {  	[smem:$0x3FA5] =	sst s9;
	s0 =	simm.s32 @!p0 $0x0  }
0x12: {  	s1 =	sld [smem:$0x3F8B];
	s0 =	simm.s32 @p0 $0x1  }
0x13: {  	[smem:$0x3FA6] =	sst s0;
	s0 =	simm.s32 @!p1 $0x0  }
0x14: {  	s2 =	sld [smem:$0x3F8A];
	s0 =	simm.s32 @p1 $0x1  }
0x15: {  	[smem:$0x3FA7] =	sst s0;
	s0 =	simm.s32 @!p2 $0x0  }
0x16: {  	s3 =	sld [smem:$0x3FDB];
	s0 =	simm.s32 @p2 $0x1  }
0x17: {  	s4 =	simm.s32 $0x1BF5;
	[smem:$0x3FA9] =	sst s0  }
0x18: {  	s0 =	sld [smem:$0x3F8C];
	_ =	swait.ge [sflag:s4], $0x0  }
0x19: {  	s7 =	sld [smem:$0x3F8D]  }
0x1a: {  	s8 =	sadd.s32 $0xFFFFE003, lr  }
0x1b: {  	s9 =	sadd.s32 $0xFFFFFEF7, lr;
	s5 =	simm.s32 $0xFFFFFFFF;
	p2 =	slt.u32 s8, $0xFFFFF086  }
0x1c: {  	p1 =	slt.u32 s9, $0xF7A;
	s5 =	simm.s32 @!p2 $0x0  }
0x1d: {  	s5 =	simm.s32 @p1 $0x1;
	p0 =	seq.s32 s7, s2  }
0x1e: {  	s7 =	smul.u32 @!p0 $0xF7A, s2;
	p2 =	seq.s32 @!p0 s5, $0x0  }
0x1f: {  	s9 =	smul.u32 $0xF7A, s1;
	s8 =	simm.s32 @!p0 $0x1BF5;
	p2 =	por !p2, p0  }
0x20: {  	[sflag:s8] =	ssyncset.s32 @!p0 $0xFFFFF086;
	s6 =	sadd.s32 @!p0 s3, s7;
	s7 =	simm.s32 @!p0 $0x108  }
0x21: {  	s3 =	sadd.s32 s3, s9;
	s6 =	sadd.s32 @!p0 $0x88, s6;
	s7 =	simm.s32 @p2 $0x1082  }
0x22: {  	[simem:s7], [sflag:s8] =	dma.local @!p0 [hbm:s6], $0xF7A  }
0x23: {  	s9 =	sor.u32 $0xD0000000, s2;
	s6 =	simm.s32 $0x108;
	_ =	swait.ge @!p0 [sflag:s8], $0x0  }
0x24: {  	s3 =	sadd.s32 $0x88, s3;
	s6 =	simm.s32 @!p1 $0x1082;
	[sflag:s4] =	ssyncset.s32 $0xFFFFF086  }
0x25: {  	[simem:s6], [sflag:s4] =	dma.local [hbm:s3], $0xF7A  }
0x26: {  	[smem:$0x3F8D] =	sst s1;
	(tag) =	ssettag s2;
	_ =	strace s9  }
0x27: {  	s1 =	sld [smem:$0x3F9D]  }
0x28: {  	s2 =	sld [smem:$0x3F9E]  }
0x29: {  	s4 =	sld [smem:$0x3FA0]  }
0x2a: {  	p0 =	seq.s32 s5, $0x0;
	s5 =	sld [smem:$0x3FA1]  }
0x2b: {  	s6 =	sld [smem:$0x3FA2]  }
0x2c: {  	s7 =	sld [smem:$0x3FA3]  }
0x2d: {  	s3 =	simm.s32 $0x108;
	s8 =	sld [smem:$0x3FA4]  }
0x2e: {  	s3 =	simm.s32 @!p0 $0x1082;
	s9 =	sld [smem:$0x3FA5]  }
0x2f: {  	lr =	sadd.s32 s0, s3;
	s0 =	sld [smem:$0x3F9C]  }
0x30: {  	s3 =	sld [smem:$0x3F9F]  }
0x31: {  	[smem:$0x3FA8] =	sst s10  }
0x32: {  	s10 =	sld [smem:$0x3FA6];
	_ =	sdelay $0x3  }
0x33: {  	p0 =	seq.s32 s10, $0x1;
	s10 =	sld [smem:$0x3FA8];
	_ =	sdelay $0x3  }
0x34: {  	[smem:$0x3FA8] =	sst s10  }
0x35: {  	s10 =	sld [smem:$0x3FA7];
	_ =	sdelay $0x3  }
0x36: {  	p1 =	seq.s32 s10, $0x1;
	s10 =	sld [smem:$0x3FA8];
	_ =	sdelay $0x3  }
0x37: {  	[smem:$0x3FA8] =	sst s10  }
0x38: {  	s10 =	sld [smem:$0x3FA9]  }
0x39: {  	_ = 	snop;
	(pc) =	sbr.ind lr, $3  }
0x3a: {  	_ = 	snop  }
0x3b: {  	_ = 	snop  }
0x3c: {  	p2 =	seq.s32 s10, $0x1;
	s10 =	sld [smem:$0x3FA8]  }
0x3d: {  	_ =	shalt  }
0x3e: {  	_ =	shalt  }
0x3f: {  	_ =	shalt  }
0x40: {  	_ =	shalt  }
0x41: {  	_ =	shalt  }
0x42: {  	_ =	shalt  }
0x43: {  	_ =	shalt  }
0x44: {  	_ =	shalt  }
0x45: {  	_ =	shalt  }
0x46: {  	_ =	shalt  }
0x47: {  	_ =	shalt  }
0x48: {  	_ =	shalt  }
0x49: {  	_ =	shalt  }
0x4a: {  	_ =	shalt  }
0x4b: {  	_ =	shalt  }
0x4c: {  	_ =	shalt  }
0x4d: {  	_ =	shalt  }
0x4e: {  	_ =	shalt  }
0x4f: {  	_ =	shalt  }
0x50: {  	_ =	shalt  }
0x51: {  	_ =	shalt  }
0x52: {  	_ =	shalt  }
0x53: {  	_ =	shalt  }
0x54: {  	_ =	shalt  }
0x55: {  	_ =	shalt  }
0x56: {  	_ =	shalt  }
0x57: {  	_ =	shalt  }
0x58: {  	_ =	shalt  }
0x59: {  	_ =	shalt  }
0x5a: {  	_ =	shalt  }
0x5b: {  	_ =	shalt  }
0x5c: {  	_ =	shalt  }
0x5d: {  	_ =	shalt  }
0x5e: {  	_ =	shalt  }
0x5f: {  	_ =	shalt  }
0x60: {  	_ =	shalt  }
0x61: {  	_ =	shalt  }
0x62: {  	_ =	shalt  }
0x63: {  	_ =	shalt  }
0x64: {  	_ =	shalt  }
0x65: {  	_ =	shalt  }
0x66: {  	_ =	shalt  }
0x67: {  	_ =	shalt  }
0x68: {  	_ =	shalt  }
0x69: {  	_ =	shalt  }
0x6a: {  	_ =	shalt  }
0x6b: {  	_ =	shalt  }
0x6c: {  	_ =	shalt  }
0x6d: {  	_ =	shalt  }
0x6e: {  	_ =	shalt  }
0x6f: {  	_ =	shalt  }
0x70: {  	_ =	shalt  }
0x71: {  	_ =	shalt  }
0x72: {  	_ =	shalt  }
0x73: {  	_ =	shalt  }
0x74: {  	_ =	shalt  }
0x75: {  	_ =	shalt  }
0x76: {  	_ =	shalt  }
0x77: {  	_ =	shalt  }
0x78: {  	_ =	shalt  }
0x79: {  	_ =	shalt  }
0x7a: {  	_ =	shalt  }
0x7b: {  	_ =	shalt  }
0x7c: {  	_ =	shalt  }
0x7d: {  	_ =	shalt  }
0x7e: {  	_ =	shalt  }
0x7f: {  	_ =	shalt  }
0x80: {  	_ =	shalt  }
0x81: {  	_ =	shalt  }
0x82: {  	_ =	shalt  }
0x83: {  	_ =	shalt  }
0x84: {  	_ =	shalt  }
0x85: {  	_ =	shalt  }
0x86: {  	_ =	shalt  }
0x87: {  	_ =	shalt  }
.Lfunc_end0:
.L_simem_size_0:
called_computation_lowered:
.L_overlay_start_0:
0x88: {  	s2 =	sld [smem:$0x3FD9]  }
0x89: {  	s3 =	sld [smem:$0x3FFE];
	_ =	sdelay $0x1  }
0x8a: {  	s1 =	srdreg.scid  }
0x8b: {  	s0 =	sand.u32 $0x1, s1  }
0x8c: {  	s17 =	sshll.u32 s0, $0xA;
	s2 =	sadd.s32 s3, s2  }
0x8d: {  	s2 =	sadd.s32 s2, s17  }
0x8e: {  	[smem:$0x3FB4] =	sst s2  }
0x8f: {  	_ = 	snop  }
0x90: {  	s2 =	sld [smem:$0x3FD0];
	(tm) =	ssettm $0x1  }
0x91: {  	s18 =	sld [smem:$0x3FFB];
	_ =	sdelay $0x3  }
0x92: {  	_ =	strace s18  }
0x93: {  	s3 =	sld [smem:$0x3FFC];
	_ =	sdelay $0x3  }
0x94: {  	_ =	strace s3  }
0x95: {  	s3 =	sld [smem:$0x3FFD];
	_ =	sdelay $0x3  }
0x96: {  	_ =	strace s3  }
0x97: {  	_ =	strace $0x8FFFFFFF  }
0x98: {  	s19 =	sld [smem:$0x3FDB];
	_ =	sdelay $0x1  }
0x99: {  	s4 =	simm.s32 $_scs_section_size  }
0x9a: {  	s5 =	simm.s32 $_size__tile_overlayer_lowered;
	s6 =	simm.s32 $_tile_overlayer_lowered  }
0x9b: {  	s22 =	simm.s32 $0x1BFF;
	s21 =	sshll.u32 s6, $0x1;
	s3 =	sadd.s32 s4, s19  }
0x9c: {  	s7 =	simm.s32 $0x0;
	s20 =	sshll.u32 s5, $0x1;
	s5 =	sadd.s32 s21, s3  }
0x9d: {  	[timem:s7], [sflag:s22] =	dma.local [hbm:s5], s20  }
0x9e: {  	_ =	swait.ge [sflag:s22], s20  }
0x9f: {  	s4 =	ssub.s32 $0x0, s20;
	[sflag:s22] =	ssyncset.done $0x0  }
0xa0: {  	[sflag:s22] =	ssyncadd.s32 s4;
	_ =	sdelay $0x1  }
0xa1: {  	s23 =	simm.s32 $0x1B8B  }
0xa2: {  	_ =	swait.ge [sflag:s23], $0x1  }
0xa3: {  	[sflag:s23] =	ssyncset.done $0x0  }
0xa4: {  	s25 =	simm.s32 $0x1B8E;
	s24 =	sld [smem:$0x3FFE];
	[sflag:s23] =	ssyncadd.s32 $0xFFFFFFFF  }
0xa5: {  	s26 =	simm.s32 $execute0_lowered;
	[smem:$0x3FD2] =	sst s25  }
0xa6: {  	s5 =	sshll.u32 s26, $0x1;
	_ =	strace $0x80000046;
	[dreg:$0x1] =	wrdreg $0xFFFFFFFF  }
0xa7: {  	s28 =	simm.s32 $_size_execute0_lowered;
	s3 =	sadd.s32 s3, s5;
	[dreg:$0x0] =	wrdreg $0x0  }
0xa8: {  	s5 =	sshll.u32 s28, $0x1;
	[dreg:$0x2] =	wrdreg s3  }
0xa9: {  	[dreg:$0x3] =	wrdreg s5  }
0xaa: {  	[dreg:$0x4] =	wrdreg $0xC0  }
0xab: {  	_ =	task [dreg:s7], $0x5FFFF  }
0xac: {  	[dreg:$0x1] =	wrdreg $0xFFFFFFFF  }
0xad: {  	[dreg:$0x0] =	wrdreg $0x60  }
0xae: {  	[dreg:$0x2] =	wrdreg s2  }
0xaf: {  	[dreg:$0x3] =	wrdreg s24  }
0xb0: {  	[dreg:$0x4] =	wrdreg $0x6800  }
0xb1: {  	[dreg:$0x5] =	wrdreg $0x8B80  }
0xb2: {  	[dreg:$0x6] =	wrdreg $0x9  }
0xb3: {  	_ =	task.clear_ibuf [dreg:s7], $0x7FFFF;
	_ =	strace $0x90000046  }
0xb4: {  	s29 =	simm.s32 $0x9;
	_ =	strace $0x80000048  }
0xb5: {  	_ =	swait.ge [sflag:s29], $0x1  }
0xb6: {  	[sflag:s29] =	ssyncadd.s32 $0xFFFFFFFF  }
0xb7: {  	_ =	strace $0x90000048  }
0xb8: {  	_ =	sfence  }
0xb9: {  	s30 =	sld [smem:$0x0];
	_ =	sdelay $0x2  }
0xba: {  	s31 =	sshll.u32 s1, $0xD;
	s1 =	sshrl.u32 s1, $0x2  }
0xbb: {  	s3 =	sand.u32 $0x4000, s31;
	s1 =	sadd.s32 s1, s30  }
0xbc: {  	s0 =	sor.u32 s3, s0;
	s1 =	sshll.u32 s1, $0x11  }
0xbd: {  	s0 =	sor.u32 s1, s0  }
0xbe: {  	s0 =	sadd.s32 $0x8F2B, s0  }
0xbf: {  	[sflag:s0] =	ssyncadd.remote.s32 $0x1  }
0xc0: {  	_ =	sfence.sel $0xFFFF  }
0xc1: {  	[dreg:$0x0] =	wrdreg $0xFFFFFFFF;
	(pc) =	sbr.abs _section_cstart, $3  }
0xc2: {  	[dreg:$0x1] =	wrdreg $0xFFFFFFFF  }
0xc3: {  	_ =	task.clear_ibuf [dreg:s7], $0x2FFFF;
	_ =	strace $0x9FFFFFFF  }
0xc4: {  	(tm) =	ssettm $0x7FFFFFFF  }
0xc5: {  	_ =	shalt  }
tec
execute0_lowered:
.L_overlay_start_1:
0x0: {  	(tag) =	ssettag $0x1  }
0x1: {  	s0 =	srdreg.scid  }
0x2: {  	s11 =	rddreg [dreg:$0x0];
	s5 =	sand.u32 $0x1, s0  }
0x3: {  	s0 =	stileid.u32;
	s6 =	smul.u32 $0x1B000, s5  }
0x4: {  	s7 =	rddreg [dreg:$0x1];
	s8 =	smul.u32 $0x1B00, s0  }
0x5: {  	s2 =	rddreg [dreg:$0x2];
	s9 =	smul.u32 $0x238, s0  }
0x6: {  	s3 =	rddreg [dreg:$0x3];
	s10 =	smul.u32 $0x2380, s5  }
0x7: {  	s1 =	rddreg [dreg:$0x4];
	s4 =	simm.s32 $0x0;
	s12 =	smul.u32 $0x2800, s5  }
0x8: {  	s17 =	simm.s32 $0x0;
	[smem:$0x7FF] =	sst s4;
	s25 =	smul.u32 $0x280, s0  }
0x9: {  	_ =	strace $0x80000047;
	s5 =	ssub.s32 $0x2, s5;
	s29 =	smul.u32 $0x1400, s0  }
0xa: {  	s30 =	sshrl.u32 s5, $0x1;
	s6 =	sadd.s32 s8, s6;
	s26 =	sadd.s32 s9, s10  }
0xb: {  	s8 =	sadd.s32 s25, s12;
	s16 =	ssub.s32 s5, s30;
	s5 =	sadd.s32 s9, s2  }
0xc: {  	s31 =	sshrl.u32 s29, $0x2;
	s13 =	sshrl.u32 s6, $0x3;
	s6 =	sshrl.u32 s26, $0x3  }
0xd: {  	s28 =	sshrl.u32 s8, $0x3;
	s8 =	sadd.s32 s8, s3;
	s14 =	sadd.s32 s13, s7  }
0xe: {  	s15 =	sadd.s32 s6, s7;
	s10 =	sadd.s32 s28, s7;
	s6 =	sadd.s32 s31, s3  }
0xf: {  	s11 =	sadd.s32 s13, s11;
	s13 =	simm.s32 $0x180;
	s7 =	sadd.s32 $0x7E00, s15  }
0x10: {  	s9 =	sadd.s32 $0x7400, s10;
	s10 =	smax.u32 s16, $0x1;
	s12 =	sadd.s32 $0x800, s14  }
0x11: {  	v0 =	vimm.f32 $0.0e+00;
	v1 =	vimm.f32 $1.000000000e+00;
	s14 =	simm.s32 $0x1;
	s15 =	simm.s32 $0x80;
	s16 =	simm.s32 $0x100  }
.LBB2_1:
0x12: {  	s18 =	simm.s32 $0x40;
	s19 =	simm.s32 $0x0  }
.LBB2_2:
0x13: {  	p0 =	sne.s32 s18, $0x13C0;
	[tilespmem:s19+$0x180] =	vst v0;
	s19 =	smov.u32 s18;
	s18 =	sadd.s32 $0x40, s18  }
.Ltmp0:
0x14: {  	(pc) =	sbr.rel @p0 .LBB2_2-.Ltmp0, $2  }
0x15: {  	_ =	sdelay $0x2  }
0x16: {  	s19 =	sshra.s32 s19, $0x2  }
0x17: {  	[tilespmem:s19+$0x180] =	vst v0  }
0x18: {  	[spmem:s5] =	stream.linear.scatter [tilespmem:s13], [sflag:$0x1], $0x238, $0x38;
	[tilespmem:$0xDB8] =	vst v63  }
0x19: {  	_ =	swait.ge [sflag:s14], $0x238  }
0x1a: {  	[sflag:s14] =	ssyncset.done $0x0  }
0x1b: {  	[sflag:s14] =	ssyncadd.s32 $0xFFFFFDC8  }
0x1c: {  	[spmem:s6] =	stream.linear.scatter [tilespmem:s13], [sflag:$0x1], $0x500, $0x38;
	[tilespmem:$0xDB8] =	vst v63  }
0x1d: {  	_ =	swait.ge [sflag:s14], $0x500  }
0x1e: {  	[sflag:s14] =	ssyncset.done $0x0  }
0x1f: {  	[sflag:s14] =	ssyncadd.s32 $0xFFFFFB00  }
0x20: {  	[tilespmem:$0x100] =	vst v1  }
0x21: {  	[tilespmem:$0x110] =	vst v1  }
0x22: {  	[tilespmem:$0x120] =	vst v1  }
0x23: {  	[tilespmem:$0x130] =	vst v1  }
0x24: {  	[tilespmem:$0x140] =	vst v1  }
0x25: {  	[tilespmem:$0x150] =	vst v1  }
0x26: {  	[tilespmem:$0x160] =	vst v1  }
0x27: {  	[tilespmem:$0x170] =	vst v1  }
0x28: {  	s18 =	sadd.s32 $0x0, s12;
	[bflag:$0x0] =	sbarrier.arrive $0xFFFF  }
0x29: {  	[tilespmem:s4], [sflag:$0x1] =	stream.linear.gather [hbm4b:s18+s4], $0x80, $0x38;
	[tilespmem:$0xDB8] =	vst v63  }
0x2a: {  	_ =	swait.ge [sflag:s14], $0x80  }
0x2b: {  	[sflag:s14] =	ssyncset.done $0x0  }
0x2c: {  	[sflag:s14] =	ssyncadd.s32 $0xFFFFFF80  }
0x2d: {  	[spmem:s3] =	stream.indirect.scatter.add.f32 [tilespmem:s16], [sflag:$0x1], $0x1, s4, s15, $0xb8;
	[tilespmem:$0xDB8] =	vst v63  }
0x2e: {  	_ =	swait.ge [sflag:s14], $0x80  }
0x2f: {  	[sflag:s14] =	ssyncset.done $0x0  }
0x30: {  	s31 =	sadd.s32 $0x0, s11;
	[sflag:s14] =	ssyncadd.s32 $0xFFFFFF80  }
0x31: {  	[tilespmem:s15], [sflag:$0x1] =	stream.linear.gather [hbm4b:s31+s4], $0x80, $0x38;
	[tilespmem:$0xDB8] =	vst v63  }
0x32: {  	_ =	swait.ge [sflag:s14], $0x80  }
0x33: {  	[sflag:s14] =	ssyncset.done $0x0  }
0x34: {  	[sflag:s14] =	ssyncadd.s32 $0xFFFFFF80  }
0x35: {  	[spmem:s2] =	stream.indirect.scatter.add.f32 [tilespmem:s16], [sflag:$0x1], $0x1, s15, s15, $0xb8;
	[tilespmem:$0xDB8] =	vst v63  }
0x36: {  	_ =	swait.ge [sflag:s14], $0x80  }
0x37: {  	s19 =	simm.s32 $0x20;
	s18 =	simm.s32 $0x10;
	[sflag:s14] =	ssyncset.done $0x0  }
.LBB2_4:
0x38: {  	s20 =	sadd.s32 s18, s12  }
0x39: {  	[sflag:s14] =	ssyncadd.s32 $0xFFFFFF80;
	s21 =	smov.u32 s19;
	s22 =	sadd.s32 $0x10, s19  }
0x3a: {  	[tilespmem:s4], [sflag:$0x1] =	stream.linear.gather [hbm4b:s20+s4], $0x80, $0x38;
	[tilespmem:$0xDB8] =	vst v63  }
0x3b: {  	p0 =	sne.s32 s19, $0x350;
	_ =	swait.ge [sflag:s14], $0x80  }
0x3c: {  	[sflag:s14] =	ssyncset.done $0x0  }
0x3d: {  	[sflag:s14] =	ssyncadd.s32 $0xFFFFFF80  }
0x3e: {  	[spmem:s3] =	stream.indirect.scatter.add.f32 [tilespmem:s16], [sflag:$0x1], $0x1, s4, s15, $0xb8;
	[tilespmem:$0xDB8] =	vst v63  }
0x3f: {  	_ =	swait.ge [sflag:s14], $0x80  }
0x40: {  	[sflag:s14] =	ssyncset.done $0x0  }
0x41: {  	s19 =	sadd.s32 s18, s11;
	s18 =	smov.u32 s21;
	[sflag:s14] =	ssyncadd.s32 $0xFFFFFF80  }
0x42: {  	[tilespmem:s15], [sflag:$0x1] =	stream.linear.gather [hbm4b:s19+s4], $0x80, $0x38;
	[tilespmem:$0xDB8] =	vst v63  }
0x43: {  	_ =	swait.ge [sflag:s14], $0x80  }
.Ltmp1:
0x44: {  	[sflag:s14] =	ssyncset.done $0x0;
	(pc) =	sbr.rel @p0 .LBB2_4-.Ltmp1, $4  }
0x45: {  	[sflag:s14] =	ssyncadd.s32 $0xFFFFFF80  }
0x46: {  	[spmem:s2] =	stream.indirect.scatter.add.f32 [tilespmem:s16], [sflag:$0x1], $0x1, s15, s15, $0xb8;
	[tilespmem:$0xDB8] =	vst v63  }
0x47: {  	_ =	swait.ge [sflag:s14], $0x80  }
0x48: {  	s19 =	smov.u32 s22;
	[sflag:s14] =	ssyncset.done $0x0  }
0x49: {  	s19 =	sadd.s32 s18, s12;
	[sflag:s14] =	ssyncadd.s32 $0xFFFFFF80  }
0x4a: {  	[tilespmem:s4], [sflag:$0x1] =	stream.linear.gather [hbm4b:s19+s4], $0x80, $0x38;
	[tilespmem:$0xDB8] =	vst v63  }
0x4b: {  	_ =	swait.ge [sflag:s14], $0x80  }
0x4c: {  	[sflag:s14] =	ssyncset.done $0x0  }
0x4d: {  	[sflag:s14] =	ssyncadd.s32 $0xFFFFFF80  }
0x4e: {  	[spmem:s3] =	stream.indirect.scatter.add.f32 [tilespmem:s16], [sflag:$0x1], $0x1, s4, s15, $0xb8;
	[tilespmem:$0xDB8] =	vst v63  }
0x4f: {  	_ =	swait.ge [sflag:s14], $0x80  }
0x50: {  	[sflag:s14] =	ssyncset.done $0x0  }
0x51: {  	s31 =	sadd.s32 s18, s11;
	[sflag:s14] =	ssyncadd.s32 $0xFFFFFF80  }
0x52: {  	[tilespmem:s15], [sflag:$0x1] =	stream.linear.gather [hbm4b:s31+s4], $0x80, $0x38;
	[tilespmem:$0xDB8] =	vst v63  }
0x53: {  	_ =	swait.ge [sflag:s14], $0x80  }
0x54: {  	[sflag:s14] =	ssyncset.done $0x0  }
0x55: {  	[sflag:s14] =	ssyncadd.s32 $0xFFFFFF80  }
0x56: {  	[spmem:s2] =	stream.indirect.scatter.add.f32 [tilespmem:s16], [sflag:$0x1], $0x1, s15, s15, $0xb8;
	[tilespmem:$0xDB8] =	vst v63  }
0x57: {  	_ =	swait.ge [sflag:s14], $0x80  }
0x58: {  	[sflag:s14] =	ssyncset.done $0x0  }
0x59: {  	[sflag:s14] =	ssyncadd.s32 $0xFFFFFF80  }
0x5a: {  	[bflag:$0x0] =	sbarrier.arrive $0xFFFF  }
0x5b: {  	[tilespmem:s13], [sflag:$0x1] =	stream.linear.gather [spmem:s5], $0x238, $0x38;
	[tilespmem:$0xDB8] =	vst v63  }
0x5c: {  	_ =	swait.ge [sflag:s14], $0x238  }
0x5d: {  	[sflag:s14] =	ssyncset.done $0x0  }
0x5e: {  	[sflag:s14] =	ssyncadd.s32 $0xFFFFFDC8  }
0x5f: {  	[hbm4b:s7+s4] =	stream.linear.scatter [tilespmem:s13], [sflag:$0x1], $0x238, $0x38;
	[tilespmem:$0xDB8] =	vst v63  }
0x60: {  	_ =	swait.ge [sflag:s14], $0x238  }
0x61: {  	[sflag:s14] =	ssyncset.done $0x0  }
0x62: {  	[sflag:s14] =	ssyncadd.s32 $0xFFFFFDC8  }
0x63: {  	[tilespmem:s13], [sflag:$0x1] =	stream.linear.gather [spmem:s8], $0x280, $0x38;
	[tilespmem:$0xDB8] =	vst v63  }
0x64: {  	s17 =	sadd.s32 $0x1, s17;
	_ =	swait.ge [sflag:s14], $0x280  }
0x65: {  	p0 =	sne.s32 s17, s10;
	[sflag:s14] =	ssyncset.done $0x0  }
.Ltmp2:
0x66: {  	[sflag:s14] =	ssyncadd.s32 $0xFFFFFD80;
	(pc) =	sbr.rel @p0 .LBB2_1-.Ltmp2, $4  }
0x67: {  	[hbm4b:s9+s4] =	stream.linear.scatter [tilespmem:s13], [sflag:$0x1], $0x280, $0x38;
	[tilespmem:$0xDB8] =	vst v63  }
0x68: {  	_ =	swait.ge [sflag:s14], $0x280  }
0x69: {  	[sflag:s14] =	ssyncset.done $0x0  }
0x6a: {  	[sflag:s14] =	ssyncadd.s32 $0xFFFFFD80  }
0x6b: {  	_ =	sfence.sel $0x180000  }
0x6c: {  	[bflag:$0x0] =	sbarrier.arrive $0xFFFF  }
0x6d: {  	p0 =	sne.s32 s0, $0x0;
	_ =	strace $0x90000047  }
0x6e: {  	s0 =	sadd.s32 @!p0 $0x100000, s1;
	[bflag:$0x2] =	sbarrier.arrive $0xFFFF  }
0x6f: {  	[sflag:s0] =	ssyncadd.tile.s32 @!p0 $0x1;
	_ =	shalt  }
.Lfunc_end2:
_tile_overlayer_lowered:
.L_overlay_start_2:
0x70: {  	(tag) =	ssettag $0x2  }
0x71: {  	s0 =	rddreg [dreg:$0x0];
	s2 =	stileid.u32  }
0x72: {  	s1 =	rddreg [dreg:$0x1];
	p0 =	sne.s32 s2, $0x0  }
0x73: {  	s3 =	rddreg [dreg:$0x2];
	[bflag:$0x3] =	sbarrier.arrive $0xFFFF;
	s2 =	simm.s32 @!p0 $0x1C01  }
0x74: {  	[timem:s3], [sflag:s2] =	dma.local @!p0 [hbm:s0], s1  }
0x75: {  	s0 =	simm.s32 @!p0 $0x1  }
0x76: {  	_ =	swait.ge @!p0 [sflag:s0], s1  }
0x77: {  	s1 =	ssub.s32 @!p0 $0x0, s1;
	[sflag:s0] =	ssyncset.done @!p0 $0x0  }
0x78: {  	[sflag:s0] =	ssyncadd.s32 @!p0 s1  }
0x79: {  	[bflag:$0x3] =	sbarrier.arrive $0xFFFF  }
0x7a: {  	_ =	shalt  }

</sc_bundles>
